<compile_context>
chip_gen: v7x
topology: tpu7x:2x2x1
jax: 0.10.2.dev20260603
libtpu: 0.0.44.dev20260713+nightly
codegen_flags: <defaults>
</compile_context>

<pallas_src>
import functools

import jax
import jax.numpy as jnp
from jax import lax
from jax.experimental import pallas as pl
from jax.experimental.pallas import tpu as pltpu
from jax.experimental.pallas import tpu_sc as plsc

TB = 64
VP = 128


def _sc_gather(table, idx):
    n, d = idx.shape[0], table.shape[1]
    info = plsc.get_sparse_core_info()
    nw = info.num_cores * info.num_subcores
    b_per_w = n // nw
    ch = 256
    mesh = plsc.VectorSubcoreMesh(core_axis_name="c", subcore_axis_name="s")

    @functools.partial(
        pl.kernel, mesh=mesh,
        out_type=jax.ShapeDtypeStruct((n, d), jnp.float32),
        scratch_types=[
            pltpu.VMEM((ch,), jnp.int32),
            pltpu.VMEM((ch, d), jnp.float32),
            pltpu.SemaphoreType.DMA,
        ],
    )
    def gather_kernel(table_hbm, idx_hbm, out_hbm, idx_v, rows_v, sem):
        wid = lax.axis_index("s") * info.num_cores + lax.axis_index("c")
        base = wid * b_per_w

        def chunk(j, carry):
            off = base + j * ch
            pltpu.sync_copy(idx_hbm.at[pl.ds(off, ch)], idx_v)
            pltpu.async_copy(table_hbm.at[idx_v], rows_v, sem).wait()
            pltpu.sync_copy(rows_v, out_hbm.at[pl.ds(off, ch)])
            return carry

        lax.fori_loop(0, b_per_w // ch, chunk, 0)

    return gather_kernel(table, idx)


def _selu(x):
    alpha = 1.6732632423543772848170429916717
    scale = 1.0507009873554804934193349852946
    return scale * jnp.where(x > 0, x, alpha * (jnp.exp(jnp.minimum(x, 0.0)) - 1.0))


def _shift_rows(x, k):
    if k == 0:
        return x
    return jnp.concatenate([x[k:], x[:k]], axis=0)


def _branch(emb_ref, w0_ref, b0_ref, w1_ref, b1_ref, L, K):
    n = emb_ref.shape[0]
    tb = n // L
    f1 = w1_ref.shape[1]
    emb = emb_ref[:, :w0_ref.shape[0] // K].astype(jnp.bfloat16)
    x0 = jnp.concatenate([_shift_rows(emb, k) for k in range(K)], axis=1)
    acc0 = jnp.dot(x0, w0_ref[...], preferred_element_type=jnp.float32)
    y0 = _selu(acc0 + b0_ref[...]).astype(jnp.bfloat16)
    x1 = jnp.concatenate([_shift_rows(y0, k) for k in range(K)], axis=1)
    acc1 = jnp.dot(x1, w1_ref[...], preferred_element_type=jnp.float32)
    valid = L - 2 * (K - 1)
    m = jnp.max(acc1.reshape(tb, L, f1)[:, :valid, :], axis=1)
    return _selu(m + b1_ref[...])


def _body(emba_ref, embc_ref,
          wa0_ref, ba0_ref, wa1_ref, ba1_ref,
          wc0_ref, bc0_ref, wc1_ref, bc1_ref,
          wd0_ref, bd0_ref, wd1_ref, bd1_ref, wd2_ref, bd2_ref,
          wh_ref, bh_ref, out_ref, h_ref, *, L, K, nsteps):
    i = pl.program_id(0)
    a = _branch(emba_ref, wa0_ref, ba0_ref, wa1_ref, ba1_ref, L, K)
    c = _branch(embc_ref, wc0_ref, bc0_ref, wc1_ref, bc1_ref, L, K)
    f1 = a.shape[1]
    h_ref[pl.ds(i * a.shape[0], a.shape[0]), :f1] = a.astype(jnp.bfloat16)
    h_ref[pl.ds(i * a.shape[0], a.shape[0]), f1:] = c.astype(jnp.bfloat16)

    @pl.when(i == nsteps - 1)
    def _mlp():
        h = h_ref[...]
        h = jax.nn.relu(jnp.dot(h, wd0_ref[...],
                                preferred_element_type=jnp.float32)
                        + bd0_ref[...]).astype(jnp.bfloat16)
        h = jax.nn.relu(jnp.dot(h, wd1_ref[...],
                                preferred_element_type=jnp.float32)
                        + bd1_ref[...]).astype(jnp.bfloat16)
        h = jax.nn.relu(jnp.dot(h, wd2_ref[...],
                                preferred_element_type=jnp.float32)
                        + bd2_ref[...]).astype(jnp.bfloat16)
        o = (jnp.dot(h, wh_ref[...], preferred_element_type=jnp.float32)
             + bh_ref[...])
        out_ref[...] = jax.nn.sigmoid(o)


def kernel(api, cof, E_api, E_cof, Wa0, ba0, Wa1, ba1, Wc0, bc0, Wc1, bc1,
           Wd0, bd0, Wd1, bd1, Wd2, bd2, Wh, bh):
    B, L = api.shape
    V, D = E_api.shape
    K = Wa0.shape[0]
    F1 = Wa1.shape[2]

    ea = jnp.zeros((V, VP), jnp.float32).at[:, :D].set(E_api)
    ec = jnp.zeros((V, VP), jnp.float32).at[:, :D].set(E_cof)
    emb_a = _sc_gather(ea, api.astype(jnp.int32).reshape(B * L))
    emb_c = _sc_gather(ec, cof.astype(jnp.int32).reshape(B * L))
    bf = lambda a: a.astype(jnp.bfloat16)

    full = lambda arr: pl.BlockSpec(arr.shape, lambda i: (0,) * arr.ndim)
    row2 = lambda a: a.reshape(1, -1)

    args = (emb_a, emb_c,
            bf(Wa0.reshape(K * D, Wa0.shape[2])), row2(ba0),
            bf(Wa1.reshape(K * Wa1.shape[1], F1)), row2(ba1),
            bf(Wc0.reshape(K * D, Wc0.shape[2])), row2(bc0),
            bf(Wc1.reshape(K * Wc1.shape[1], F1)), row2(bc1),
            bf(Wd0), row2(bd0), bf(Wd1), row2(bd1), bf(Wd2), row2(bd2),
            bf(Wh), row2(bh))
    in_specs = [pl.BlockSpec((TB * L, VP), lambda i: (i, 0)),
                pl.BlockSpec((TB * L, VP), lambda i: (i, 0))]
    in_specs += [full(a) for a in args[2:]]

    return pl.pallas_call(
        functools.partial(_body, L=L, K=K, nsteps=B // TB),
        grid=(B // TB,),
        in_specs=in_specs,
        out_specs=pl.BlockSpec((B, 1), lambda i: (0, 0)),
        out_shape=jax.ShapeDtypeStruct((B, 1), jnp.float32),
        scratch_shapes=[pltpu.VMEM((B, 2 * F1), jnp.bfloat16)],
    )(*args)

# --- scband reference (transcript-rebuilt; emitter-appended) ---
"""Pipeline reference for scband-deep-cocrystal-81990925681259 (READ-ONLY COPY).

The authoritative reference and input builder live on the scoring server;
editing this copy changes nothing except your own understanding.
"""

import jax, jax.numpy as jnp
import numpy as np


def conv1d_valid(x, W, b):
    # x: [B, L, Cin], W: [K, Cin, Cout] -> [B, L-K+1, Cout]
    y = jax.lax.conv_general_dilated(
        x, W, window_strides=(1,), padding='VALID',
        dimension_numbers=('NWC', 'WIO', 'NWC'))
    return y + b


def setup_inputs(seed: int = 0) -> dict:
    key = jax.random.key(seed)
    ks = jax.random.split(key, 16)
    B, L, V, D = 1024, 80, 33, 32
    F0, F1, H = 256, 512, 1024

    def p(k, shape, scale=0.05):
        return jax.random.normal(k, shape, dtype=jnp.float32) * scale

    inp = {
        'api': jax.random.randint(ks[0], (B, L), 0, V),
        'cof': jax.random.randint(ks[1], (B, L), 0, V),
        'E_api': p(ks[2], (V, D)),
        'E_cof': p(ks[3], (V, D)),
        'Wa0': p(ks[4], (4, D, F0)), 'ba0': jnp.zeros((F0,), jnp.float32),
        'Wa1': p(ks[5], (4, F0, F1)), 'ba1': jnp.zeros((F1,), jnp.float32),
        'Wc0': p(ks[6], (4, D, F0)), 'bc0': jnp.zeros((F0,), jnp.float32),
        'Wc1': p(ks[7], (4, F0, F1)), 'bc1': jnp.zeros((F1,), jnp.float32),
        'Wd0': p(ks[8], (2 * F1, H)), 'bd0': jnp.zeros((H,), jnp.float32),
        'Wd1': p(ks[9], (H, H)), 'bd1': jnp.zeros((H,), jnp.float32),
        'Wd2': p(ks[10], (H, H)), 'bd2': jnp.zeros((H,), jnp.float32),
        'Wh': p(ks[11], (H, 1)), 'bh': jnp.zeros((1,), jnp.float32),
    }
    return inp


def reference(api, cof, E_api, E_cof, Wa0, ba0, Wa1, ba1, Wc0, bc0, Wc1, bc1,
              Wd0, bd0, Wd1, bd1, Wd2, bd2, Wh, bh):
    # embedding lookup (TextVectorization is bypassed: api/cof are token ids)
    a = jnp.take(E_api, api, axis=0)  # [B, 80, 32]
    c = jnp.take(E_cof, cof, axis=0)
    # two stacked valid Conv1D + selu per branch
    a = jax.nn.selu(conv1d_valid(a, Wa0, ba0))
    a = jax.nn.selu(conv1d_valid(a, Wa1, ba1))
    c = jax.nn.selu(conv1d_valid(c, Wc0, bc0))
    c = jax.nn.selu(conv1d_valid(c, Wc1, bc1))
    # global max pooling over time
    a = jnp.max(a, axis=1)  # [B, 512]
    c = jnp.max(c, axis=1)
    h = jnp.concatenate([a, c], axis=-1)  # [B, 1024]
    # interaction dense stack (dropout is identity at inference)
    h = jax.nn.relu(h @ Wd0 + bd0)
    h = jax.nn.relu(h @ Wd1 + bd1)
    h = jax.nn.relu(h @ Wd2 + bd2)
    return jax.nn.sigmoid(h @ Wh + bh)  # [B, 1]

if __name__ == "__main__":
    import jax
    _d = setup_inputs()
    print(jax.jit(kernel)(*tuple(_d.values())))

</pallas_src>

<mosaic_0001>
#map = affine_map<(d0, d1) -> (0, 0)>
#map1 = affine_map<(d0, d1) -> (0)>
module attributes {stable_mosaic.version = 14 : i64} {
  func.func @gather_kernel(%arg0: i32, %arg1: i32, %arg2: memref<33x128xf32, #tpu.memory_space<hbm>>, %arg3: memref<81920xi32, #tpu.memory_space<hbm>>, %arg4: memref<81920x128xf32, #tpu.memory_space<hbm>>, %arg5: memref<256xi32, #tpu.memory_space<vmem>>, %arg6: memref<256x128xf32, #tpu.memory_space<vmem>>, %arg7: memref<!tpu.dma_semaphore, #tpu.memory_space<semaphore_mem>>) attributes {dimension_semantics = [#tpu.dimension_semantics<core_parallel>, #tpu.dimension_semantics<subcore_parallel>], iteration_bounds = array<i64: 2, 16>, scalar_prefetch = 0 : i64, scratch_operands = 3 : i64, tpu.core_type = #tpu.core_type<sc_vector_subcore>, window_params = [{transform_indices = #map}, {transform_indices = #map1}, {transform_indices = #map}]} {
    %mul3A = arith.constant 2 : i32
    %mul3A_0 = arith.muli %arg1, %mul3A : i32
    %add3A = arith.addi %mul3A_0, %arg0 : i32
    %mul3A_1 = arith.constant 2560 : i32
    %mul3A_2 = arith.muli %add3A, %mul3A_1 : i32
    %scan3A = arith.constant 0 : i32
    %scan3A_3 = arith.constant 0 : i32
    %scan3A_4 = arith.constant 10 : i32
    %scan3A_5 = arith.addi %scan3A_3, %scan3A_4 : i32
    %scan3A_6 = arith.constant 1 : i32
    scf.for %scan3A_8 = %scan3A_3 to %scan3A_5 step %scan3A_6  : i32 {
      %mul3A_9 = arith.constant 256 : i32
      %mul3A_10 = arith.muli %scan3A_8, %mul3A_9 : i32
      %add3A_11 = arith.addi %mul3A_2, %mul3A_10 : i32
      "tpu.region"() ({
        %run_scoped3A = tpu.sem_alloc : memref<!tpu.dma_semaphore, #tpu.memory_space<semaphore_mem>>
        %dma_start3A_16 = tpu.memref_slice %arg3[%add3A_11] : memref<81920xi32, #tpu.memory_space<hbm>> -> memref<256xi32, #tpu.memory_space<hbm>>
        %dma_start3A_17 = tpu.memref_slice %arg3[%add3A_11] : memref<81920xi32, #tpu.memory_space<hbm>> -> memref<256xi32, #tpu.memory_space<hbm>>
        tpu.enqueue_dma source(%dma_start3A_17 : memref<256xi32, #tpu.memory_space<hbm>>) target(%arg5 : memref<256xi32, #tpu.memory_space<vmem>>) target_semaphore(%run_scoped3A : memref<!tpu.dma_semaphore, #tpu.memory_space<semaphore_mem>>)
        %dma_wait3A_18 = tpu.memref_slice %arg3[%add3A_11] : memref<81920xi32, #tpu.memory_space<hbm>> -> memref<256xi32, #tpu.memory_space<hbm>>
        %dma_wait3A_19 = tpu.memref_slice %arg3[%add3A_11] : memref<81920xi32, #tpu.memory_space<hbm>> -> memref<256xi32, #tpu.memory_space<hbm>>
        tpu.wait_dma2 semaphore(%run_scoped3A : memref<!tpu.dma_semaphore, #tpu.memory_space<semaphore_mem>>) src(%dma_wait3A_19 : memref<256xi32, #tpu.memory_space<hbm>>) dst(%arg5 : memref<256xi32, #tpu.memory_space<vmem>>)
        tpu.yield
      }) : () -> ()
      %dma_start3A = arith.constant 0 : i32
      %dma_start3A_12 = arith.constant 0 : i32
      %dma_start3A_13 = tpu.memref_slice %arg2[%dma_start3A, %dma_start3A_12] : memref<33x128xf32, #tpu.memory_space<hbm>> -> memref<33x128xf32, #tpu.memory_space<hbm>>
      tpu.enqueue_indirect_dma source(%dma_start3A_13 : memref<33x128xf32, #tpu.memory_space<hbm>>) target(%arg6 : memref<256x128xf32, #tpu.memory_space<vmem>>) offsets(%arg5 : memref<256xi32, #tpu.memory_space<vmem>>) semaphore(%arg7 : memref<!tpu.dma_semaphore, #tpu.memory_space<semaphore_mem>>)
      %dma_wait3A = arith.constant 0 : i32
      %dma_wait3A_14 = arith.constant 0 : i32
      %dma_wait3A_15 = tpu.memref_slice %arg2[%dma_wait3A, %dma_wait3A_14] : memref<33x128xf32, #tpu.memory_space<hbm>> -> memref<33x128xf32, #tpu.memory_space<hbm>>
      tpu.wait_indirect_dma semaphore(%arg7 : memref<!tpu.dma_semaphore, #tpu.memory_space<semaphore_mem>>) src(%dma_wait3A_15 : memref<33x128xf32, #tpu.memory_space<hbm>>) dst(%arg6 : memref<256x128xf32, #tpu.memory_space<vmem>>)
      "tpu.region"() ({
        %run_scoped3A = tpu.sem_alloc : memref<!tpu.dma_semaphore, #tpu.memory_space<semaphore_mem>>
        %dma_start3A_16 = arith.constant 0 : i32
        %dma_start3A_17 = tpu.memref_slice %arg4[%add3A_11, %dma_start3A_16] : memref<81920x128xf32, #tpu.memory_space<hbm>> -> memref<256x128xf32, #tpu.memory_space<hbm>>
        %dma_start3A_18 = arith.constant 0 : i32
        %dma_start3A_19 = tpu.memref_slice %arg4[%add3A_11, %dma_start3A_18] : memref<81920x128xf32, #tpu.memory_space<hbm>> -> memref<256x128xf32, #tpu.memory_space<hbm>>
        tpu.enqueue_dma source(%arg6 : memref<256x128xf32, #tpu.memory_space<vmem>>) target(%dma_start3A_19 : memref<256x128xf32, #tpu.memory_space<hbm>>) target_semaphore(%run_scoped3A : memref<!tpu.dma_semaphore, #tpu.memory_space<semaphore_mem>>)
        %dma_wait3A_20 = arith.constant 0 : i32
        %dma_wait3A_21 = tpu.memref_slice %arg4[%add3A_11, %dma_wait3A_20] : memref<81920x128xf32, #tpu.memory_space<hbm>> -> memref<256x128xf32, #tpu.memory_space<hbm>>
        %dma_wait3A_22 = arith.constant 0 : i32
        %dma_wait3A_23 = tpu.memref_slice %arg4[%add3A_11, %dma_wait3A_22] : memref<81920x128xf32, #tpu.memory_space<hbm>> -> memref<256x128xf32, #tpu.memory_space<hbm>>
        tpu.wait_dma2 semaphore(%run_scoped3A : memref<!tpu.dma_semaphore, #tpu.memory_space<semaphore_mem>>) src(%arg6 : memref<256x128xf32, #tpu.memory_space<vmem>>) dst(%dma_wait3A_23 : memref<256x128xf32, #tpu.memory_space<hbm>>)
        tpu.yield
      }) : () -> ()
    }
    %scan3A_7 = arith.constant 10 : i32
    return
  }
}

#map = affine_map<(d0, d1) -> (0, 0)>
#map1 = affine_map<(d0, d1) -> (0)>
module attributes {stable_mosaic.version = 14 : i64} {
  func.func @gather_kernel(%arg0: i32, %arg1: i32, %arg2: memref<33x128xf32, #tpu.memory_space<hbm>>, %arg3: memref<81920xi32, #tpu.memory_space<hbm>>, %arg4: memref<81920x128xf32, #tpu.memory_space<hbm>>, %arg5: memref<256xi32, #tpu.memory_space<vmem>>, %arg6: memref<256x128xf32, #tpu.memory_space<vmem>>, %arg7: memref<!tpu.dma_semaphore, #tpu.memory_space<semaphore_mem>>) attributes {dimension_semantics = [#tpu.dimension_semantics<core_parallel>, #tpu.dimension_semantics<subcore_parallel>], iteration_bounds = array<i64: 2, 16>, scalar_prefetch = 0 : i64, scratch_operands = 3 : i64, tpu.core_type = #tpu.core_type<sc_vector_subcore>, window_params = [{transform_indices = #map}, {transform_indices = #map1}, {transform_indices = #map}]} {
    %mul3A = arith.constant 2 : i32
    %mul3A_0 = arith.muli %arg1, %mul3A : i32
    %add3A = arith.addi %mul3A_0, %arg0 : i32
    %mul3A_1 = arith.constant 2560 : i32
    %mul3A_2 = arith.muli %add3A, %mul3A_1 : i32
    %scan3A = arith.constant 0 : i32
    %scan3A_3 = arith.constant 0 : i32
    %scan3A_4 = arith.constant 10 : i32
    %scan3A_5 = arith.addi %scan3A_3, %scan3A_4 : i32
    %scan3A_6 = arith.constant 1 : i32
    scf.for %scan3A_8 = %scan3A_3 to %scan3A_5 step %scan3A_6  : i32 {
      %mul3A_9 = arith.constant 256 : i32
      %mul3A_10 = arith.muli %scan3A_8, %mul3A_9 : i32
      %add3A_11 = arith.addi %mul3A_2, %mul3A_10 : i32
      "tpu.region"() ({
        %run_scoped3A = tpu.sem_alloc : memref<!tpu.dma_semaphore, #tpu.memory_space<semaphore_mem>>
        %dma_start3A_16 = tpu.memref_slice %arg3[%add3A_11] : memref<81920xi32, #tpu.memory_space<hbm>> -> memref<256xi32, #tpu.memory_space<hbm>>
        %dma_start3A_17 = tpu.memref_slice %arg3[%add3A_11] : memref<81920xi32, #tpu.memory_space<hbm>> -> memref<256xi32, #tpu.memory_space<hbm>>
        tpu.enqueue_dma source(%dma_start3A_17 : memref<256xi32, #tpu.memory_space<hbm>>) target(%arg5 : memref<256xi32, #tpu.memory_space<vmem>>) target_semaphore(%run_scoped3A : memref<!tpu.dma_semaphore, #tpu.memory_space<semaphore_mem>>)
        %dma_wait3A_18 = tpu.memref_slice %arg3[%add3A_11] : memref<81920xi32, #tpu.memory_space<hbm>> -> memref<256xi32, #tpu.memory_space<hbm>>
        %dma_wait3A_19 = tpu.memref_slice %arg3[%add3A_11] : memref<81920xi32, #tpu.memory_space<hbm>> -> memref<256xi32, #tpu.memory_space<hbm>>
        tpu.wait_dma2 semaphore(%run_scoped3A : memref<!tpu.dma_semaphore, #tpu.memory_space<semaphore_mem>>) src(%dma_wait3A_19 : memref<256xi32, #tpu.memory_space<hbm>>) dst(%arg5 : memref<256xi32, #tpu.memory_space<vmem>>)
        tpu.yield
      }) : () -> ()
      %dma_start3A = arith.constant 0 : i32
      %dma_start3A_12 = arith.constant 0 : i32
      %dma_start3A_13 = tpu.memref_slice %arg2[%dma_start3A, %dma_start3A_12] : memref<33x128xf32, #tpu.memory_space<hbm>> -> memref<33x128xf32, #tpu.memory_space<hbm>>
      tpu.enqueue_indirect_dma source(%dma_start3A_13 : memref<33x128xf32, #tpu.memory_space<hbm>>) target(%arg6 : memref<256x128xf32, #tpu.memory_space<vmem>>) offsets(%arg5 : memref<256xi32, #tpu.memory_space<vmem>>) semaphore(%arg7 : memref<!tpu.dma_semaphore, #tpu.memory_space<semaphore_mem>>)
      %dma_wait3A = arith.constant 0 : i32
      %dma_wait3A_14 = arith.constant 0 : i32
      %dma_wait3A_15 = tpu.memref_slice %arg2[%dma_wait3A, %dma_wait3A_14] : memref<33x128xf32, #tpu.memory_space<hbm>> -> memref<33x128xf32, #tpu.memory_space<hbm>>
      tpu.wait_indirect_dma semaphore(%arg7 : memref<!tpu.dma_semaphore, #tpu.memory_space<semaphore_mem>>) src(%dma_wait3A_15 : memref<33x128xf32, #tpu.memory_space<hbm>>) dst(%arg6 : memref<256x128xf32, #tpu.memory_space<vmem>>)
      "tpu.region"() ({
        %run_scoped3A = tpu.sem_alloc : memref<!tpu.dma_semaphore, #tpu.memory_space<semaphore_mem>>
        %dma_start3A_16 = arith.constant 0 : i32
        %dma_start3A_17 = tpu.memref_slice %arg4[%add3A_11, %dma_start3A_16] : memref<81920x128xf32, #tpu.memory_space<hbm>> -> memref<256x128xf32, #tpu.memory_space<hbm>>
        %dma_start3A_18 = arith.constant 0 : i32
        %dma_start3A_19 = tpu.memref_slice %arg4[%add3A_11, %dma_start3A_18] : memref<81920x128xf32, #tpu.memory_space<hbm>> -> memref<256x128xf32, #tpu.memory_space<hbm>>
        tpu.enqueue_dma source(%arg6 : memref<256x128xf32, #tpu.memory_space<vmem>>) target(%dma_start3A_19 : memref<256x128xf32, #tpu.memory_space<hbm>>) target_semaphore(%run_scoped3A : memref<!tpu.dma_semaphore, #tpu.memory_space<semaphore_mem>>)
        %dma_wait3A_20 = arith.constant 0 : i32
        %dma_wait3A_21 = tpu.memref_slice %arg4[%add3A_11, %dma_wait3A_20] : memref<81920x128xf32, #tpu.memory_space<hbm>> -> memref<256x128xf32, #tpu.memory_space<hbm>>
        %dma_wait3A_22 = arith.constant 0 : i32
        %dma_wait3A_23 = tpu.memref_slice %arg4[%add3A_11, %dma_wait3A_22] : memref<81920x128xf32, #tpu.memory_space<hbm>> -> memref<256x128xf32, #tpu.memory_space<hbm>>
        tpu.wait_dma2 semaphore(%run_scoped3A : memref<!tpu.dma_semaphore, #tpu.memory_space<semaphore_mem>>) src(%arg6 : memref<256x128xf32, #tpu.memory_space<vmem>>) dst(%dma_wait3A_23 : memref<256x128xf32, #tpu.memory_space<hbm>>)
        tpu.yield
      }) : () -> ()
    }
    %scan3A_7 = arith.constant 10 : i32
    return
  }
}

module attributes {stable_mosaic.version = 14 : i64} {
  func.func @_body(%arg0: i32, %arg1: memref<5120x128xf32, #tpu.memory_space<vmem>>, %arg2: memref<5120x128xf32, #tpu.memory_space<vmem>>, %arg3: memref<128x256xbf16, #tpu.memory_space<vmem>>, %arg4: memref<1x256xf32, #tpu.memory_space<vmem>>, %arg5: memref<1024x512xbf16, #tpu.memory_space<vmem>>, %arg6: memref<1x512xf32, #tpu.memory_space<vmem>>, %arg7: memref<128x256xbf16, #tpu.memory_space<vmem>>, %arg8: memref<1x256xf32, #tpu.memory_space<vmem>>, %arg9: memref<1024x512xbf16, #tpu.memory_space<vmem>>, %arg10: memref<1x512xf32, #tpu.memory_space<vmem>>, %arg11: memref<1024x1024xbf16, #tpu.memory_space<vmem>>, %arg12: memref<1x1024xf32, #tpu.memory_space<vmem>>, %arg13: memref<1024x1024xbf16, #tpu.memory_space<vmem>>, %arg14: memref<1x1024xf32, #tpu.memory_space<vmem>>, %arg15: memref<1024x1024xbf16, #tpu.memory_space<vmem>>, %arg16: memref<1x1024xf32, #tpu.memory_space<vmem>>, %arg17: memref<1024x1xbf16, #tpu.memory_space<vmem>>, %arg18: memref<1x1xf32, #tpu.memory_space<vmem>>, %arg19: memref<1024x1xf32, #tpu.memory_space<vmem>>, %arg20: memref<1024x1024xbf16, #tpu.memory_space<vmem>>) attributes {dimension_semantics = [#tpu.dimension_semantics<arbitrary>], iteration_bounds = array<i64: 16>, scalar_prefetch = 0 : i64, scratch_operands = 1 : i64, tpu.core_type = #tpu.core_type<tc>, window_params = [{transform_indices = @transform_0, window_bounds = array<i64: 5120, 128>}, {transform_indices = @transform_1, window_bounds = array<i64: 5120, 128>}, {pipeline_mode = #tpu.pipeline_mode<synchronous>, transform_indices = @transform_2, window_bounds = array<i64: 128, 256>}, {pipeline_mode = #tpu.pipeline_mode<synchronous>, transform_indices = @transform_3, window_bounds = array<i64: 1, 256>}, {pipeline_mode = #tpu.pipeline_mode<synchronous>, transform_indices = @transform_4, window_bounds = array<i64: 1024, 512>}, {pipeline_mode = #tpu.pipeline_mode<synchronous>, transform_indices = @transform_5, window_bounds = array<i64: 1, 512>}, {pipeline_mode = #tpu.pipeline_mode<synchronous>, transform_indices = @transform_6, window_bounds = array<i64: 128, 256>}, {pipeline_mode = #tpu.pipeline_mode<synchronous>, transform_indices = @transform_7, window_bounds = array<i64: 1, 256>}, {pipeline_mode = #tpu.pipeline_mode<synchronous>, transform_indices = @transform_8, window_bounds = array<i64: 1024, 512>}, {pipeline_mode = #tpu.pipeline_mode<synchronous>, transform_indices = @transform_9, window_bounds = array<i64: 1, 512>}, {pipeline_mode = #tpu.pipeline_mode<synchronous>, transform_indices = @transform_10, window_bounds = array<i64: 1024, 1024>}, {pipeline_mode = #tpu.pipeline_mode<synchronous>, transform_indices = @transform_11, window_bounds = array<i64: 1, 1024>}, {pipeline_mode = #tpu.pipeline_mode<synchronous>, transform_indices = @transform_12, window_bounds = array<i64: 1024, 1024>}, {pipeline_mode = #tpu.pipeline_mode<synchronous>, transform_indices = @transform_13, window_bounds = array<i64: 1, 1024>}, {pipeline_mode = #tpu.pipeline_mode<synchronous>, transform_indices = @transform_14, window_bounds = array<i64: 1024, 1024>}, {pipeline_mode = #tpu.pipeline_mode<synchronous>, transform_indices = @transform_15, window_bounds = array<i64: 1, 1024>}, {pipeline_mode = #tpu.pipeline_mode<synchronous>, transform_indices = @transform_16, window_bounds = array<i64: 1024, 1>}, {pipeline_mode = #tpu.pipeline_mode<synchronous>, transform_indices = @transform_17, window_bounds = array<i64: 1, 1>}, {pipeline_mode = #tpu.pipeline_mode<synchronous>, transform_indices = @transform_18, window_bounds = array<i64: 1024, 1>}]} {
    %get3A = arith.constant 0 : index
    %get3A_0 = arith.constant 0 : index
    %get3A_1 = vector.load %arg1[%get3A, %get3A_0] : memref<5120x128xf32, #tpu.memory_space<vmem>>, vector<5120x32xf32>
    %convert_element_type3A = arith.truncf %get3A_1 : vector<5120x32xf32> to vector<5120x32xbf16>
    %slice3A = vector.extract_strided_slice %convert_element_type3A {offsets = [1, 0], sizes = [5119, 32], strides = [1, 1]} : vector<5120x32xbf16> to vector<5119x32xbf16>
    %slice3A_2 = vector.extract_strided_slice %convert_element_type3A {offsets = [0, 0], sizes = [1, 32], strides = [1, 1]} : vector<5120x32xbf16> to vector<1x32xbf16>
    %concatenate3A = tpu.concatenate %slice3A, %slice3A_2 in 0 : vector<5119x32xbf16>, vector<1x32xbf16> -> vector<5120x32xbf16>
    %slice3A_3 = vector.extract_strided_slice %convert_element_type3A {offsets = [2, 0], sizes = [5118, 32], strides = [1, 1]} : vector<5120x32xbf16> to vector<5118x32xbf16>
    %slice3A_4 = vector.extract_strided_slice %convert_element_type3A {offsets = [0, 0], sizes = [2, 32], strides = [1, 1]} : vector<5120x32xbf16> to vector<2x32xbf16>
    %concatenate3A_5 = tpu.concatenate %slice3A_3, %slice3A_4 in 0 : vector<5118x32xbf16>, vector<2x32xbf16> -> vector<5120x32xbf16>
    %slice3A_6 = vector.extract_strided_slice %convert_element_type3A {offsets = [3, 0], sizes = [5117, 32], strides = [1, 1]} : vector<5120x32xbf16> to vector<5117x32xbf16>
    %slice3A_7 = vector.extract_strided_slice %convert_element_type3A {offsets = [0, 0], sizes = [3, 32], strides = [1, 1]} : vector<5120x32xbf16> to vector<3x32xbf16>
    %concatenate3A_8 = tpu.concatenate %slice3A_6, %slice3A_7 in 0 : vector<5117x32xbf16>, vector<3x32xbf16> -> vector<5120x32xbf16>
    %concatenate3A_9 = tpu.concatenate %convert_element_type3A, %concatenate3A, %concatenate3A_5, %concatenate3A_8 in 1 : vector<5120x32xbf16>, vector<5120x32xbf16>, vector<5120x32xbf16>, vector<5120x32xbf16> -> vector<5120x128xbf16>
    %get3A_10 = arith.constant 0 : index
    %get3A_11 = arith.constant 0 : index
    %get3A_12 = vector.load %arg3[%get3A_10, %get3A_11] : memref<128x256xbf16, #tpu.memory_space<vmem>>, vector<128x256xbf16>
    %dot_general3A = arith.constant dense<0.000000e+00> : vector<5120x256xf32>
    %dot_general3A_13 = tpu.matmul %concatenate3A_9, %get3A_12, %dot_general3A {dimension_numbers = #tpu.dot_dimension_numbers<[1], [0], [0], [1], [0, 0, 1, 1], [], []>, transpose_lhs_hint = false} : vector<5120x128xbf16>, vector<128x256xbf16>, vector<5120x256xf32> -> vector<5120x256xf32>
    %get3A_14 = arith.constant 0 : index
    %get3A_15 = arith.constant 0 : index
    %get3A_16 = vector.load %arg4[%get3A_14, %get3A_15] : memref<1x256xf32, #tpu.memory_space<vmem>>, vector<1x256xf32>
    %add3A = vector.broadcast %get3A_16 : vector<1x256xf32> to vector<5120x256xf32>
    %add3A_17 = arith.addf %dot_general3A_13, %add3A : vector<5120x256xf32>
    %gt3A = arith.constant 0.000000e+00 : f32
    %gt3A_18 = vector.broadcast %gt3A : f32 to vector<5120x256xf32>
    %gt3A_19 = arith.cmpf ogt, %add3A_17, %gt3A_18 : vector<5120x256xf32>
    %min3A = arith.constant 0.000000e+00 : f32
    %min3A_20 = vector.broadcast %min3A : f32 to vector<5120x256xf32>
    %min3A_21 = arith.minimumf %add3A_17, %min3A_20 : vector<5120x256xf32>
    %exp3A = math.exp %min3A_21 : vector<5120x256xf32>
    %sub3A = arith.constant 1.000000e+00 : f32
    %sub3A_22 = vector.broadcast %sub3A : f32 to vector<5120x256xf32>
    %sub3A_23 = arith.subf %exp3A, %sub3A_22 : vector<5120x256xf32>
    %mul3A = arith.constant 1.67326319 : f32
    %mul3A_24 = vector.broadcast %mul3A : f32 to vector<5120x256xf32>
    %mul3A_25 = arith.mulf %mul3A_24, %sub3A_23 : vector<5120x256xf32>
    %select_n3A = arith.select %gt3A_19, %add3A_17, %mul3A_25 : vector<5120x256xi1>, vector<5120x256xf32>
    %mul3A_26 = arith.constant 1.05070102 : f32
    %mul3A_27 = vector.broadcast %mul3A_26 : f32 to vector<5120x256xf32>
    %mul3A_28 = arith.mulf %mul3A_27, %select_n3A : vector<5120x256xf32>
    %convert_element_type3A_29 = arith.truncf %mul3A_28 : vector<5120x256xf32> to vector<5120x256xbf16>
    %slice3A_30 = vector.extract_strided_slice %convert_element_type3A_29 {offsets = [1, 0], sizes = [5119, 256], strides = [1, 1]} : vector<5120x256xbf16> to vector<5119x256xbf16>
    %slice3A_31 = vector.extract_strided_slice %convert_element_type3A_29 {offsets = [0, 0], sizes = [1, 256], strides = [1, 1]} : vector<5120x256xbf16> to vector<1x256xbf16>
    %concatenate3A_32 = tpu.concatenate %slice3A_30, %slice3A_31 in 0 : vector<5119x256xbf16>, vector<1x256xbf16> -> vector<5120x256xbf16>
    %slice3A_33 = vector.extract_strided_slice %convert_element_type3A_29 {offsets = [2, 0], sizes = [5118, 256], strides = [1, 1]} : vector<5120x256xbf16> to vector<5118x256xbf16>
    %slice3A_34 = vector.extract_strided_slice %convert_element_type3A_29 {offsets = [0, 0], sizes = [2, 256], strides = [1, 1]} : vector<5120x256xbf16> to vector<2x256xbf16>
    %concatenate3A_35 = tpu.concatenate %slice3A_33, %slice3A_34 in 0 : vector<5118x256xbf16>, vector<2x256xbf16> -> vector<5120x256xbf16>
    %slice3A_36 = vector.extract_strided_slice %convert_element_type3A_29 {offsets = [3, 0], sizes = [5117, 256], strides = [1, 1]} : vector<5120x256xbf16> to vector<5117x256xbf16>
    %slice3A_37 = vector.extract_strided_slice %convert_element_type3A_29 {offsets = [0, 0], sizes = [3, 256], strides = [1, 1]} : vector<5120x256xbf16> to vector<3x256xbf16>
    %concatenate3A_38 = tpu.concatenate %slice3A_36, %slice3A_37 in 0 : vector<5117x256xbf16>, vector<3x256xbf16> -> vector<5120x256xbf16>
    %concatenate3A_39 = tpu.concatenate %convert_element_type3A_29, %concatenate3A_32, %concatenate3A_35, %concatenate3A_38 in 1 : vector<5120x256xbf16>, vector<5120x256xbf16>, vector<5120x256xbf16>, vector<5120x256xbf16> -> vector<5120x1024xbf16>
    %get3A_40 = arith.constant 0 : index
    %get3A_41 = arith.constant 0 : index
    %get3A_42 = vector.load %arg5[%get3A_40, %get3A_41] : memref<1024x512xbf16, #tpu.memory_space<vmem>>, vector<1024x512xbf16>
    %dot_general3A_43 = arith.constant dense<0.000000e+00> : vector<5120x512xf32>
    %dot_general3A_44 = tpu.matmul %concatenate3A_39, %get3A_42, %dot_general3A_43 {dimension_numbers = #tpu.dot_dimension_numbers<[1], [0], [0], [1], [0, 0, 1, 1], [], []>, transpose_lhs_hint = false} : vector<5120x1024xbf16>, vector<1024x512xbf16>, vector<5120x512xf32> -> vector<5120x512xf32>
    %reshape3A = vector.shape_cast %dot_general3A_44 : vector<5120x512xf32> to vector<64x80x512xf32>
    %slice3A_45 = vector.extract_strided_slice %reshape3A {offsets = [0, 0, 0], sizes = [64, 74, 512], strides = [1, 1, 1]} : vector<64x80x512xf32> to vector<64x74x512xf32>
    %reduce_max3A = arith.constant dense<0xFF800000> : vector<64x512xf32>
    %reduce_max3A_46 = vector.multi_reduction <maximumf>, %slice3A_45, %reduce_max3A [1] : vector<64x74x512xf32> to vector<64x512xf32>
    %get3A_47 = arith.constant 0 : index
    %get3A_48 = arith.constant 0 : index
    %get3A_49 = vector.load %arg6[%get3A_47, %get3A_48] : memref<1x512xf32, #tpu.memory_space<vmem>>, vector<1x512xf32>
    %add3A_50 = vector.broadcast %get3A_49 : vector<1x512xf32> to vector<64x512xf32>
    %add3A_51 = arith.addf %reduce_max3A_46, %add3A_50 : vector<64x512xf32>
    %gt3A_52 = arith.constant 0.000000e+00 : f32
    %gt3A_53 = vector.broadcast %gt3A_52 : f32 to vector<64x512xf32>
    %gt3A_54 = arith.cmpf ogt, %add3A_51, %gt3A_53 : vector<64x512xf32>
    %min3A_55 = arith.constant 0.000000e+00 : f32
    %min3A_56 = vector.broadcast %min3A_55 : f32 to vector<64x512xf32>
    %min3A_57 = arith.minimumf %add3A_51, %min3A_56 : vector<64x512xf32>
    %exp3A_58 = math.exp %min3A_57 : vector<64x512xf32>
    %sub3A_59 = arith.constant 1.000000e+00 : f32
    %sub3A_60 = vector.broadcast %sub3A_59 : f32 to vector<64x512xf32>
    %sub3A_61 = arith.subf %exp3A_58, %sub3A_60 : vector<64x512xf32>
    %mul3A_62 = arith.constant 1.67326319 : f32
    %mul3A_63 = vector.broadcast %mul3A_62 : f32 to vector<64x512xf32>
    %mul3A_64 = arith.mulf %mul3A_63, %sub3A_61 : vector<64x512xf32>
    %select_n3A_65 = arith.select %gt3A_54, %add3A_51, %mul3A_64 : vector<64x512xi1>, vector<64x512xf32>
    %mul3A_66 = arith.constant 1.05070102 : f32
    %mul3A_67 = vector.broadcast %mul3A_66 : f32 to vector<64x512xf32>
    %mul3A_68 = arith.mulf %mul3A_67, %select_n3A_65 : vector<64x512xf32>
    %get3A_69 = arith.constant 0 : index
    %get3A_70 = arith.constant 0 : index
    %get3A_71 = vector.load %arg2[%get3A_69, %get3A_70] : memref<5120x128xf32, #tpu.memory_space<vmem>>, vector<5120x32xf32>
    %convert_element_type3A_72 = arith.truncf %get3A_71 : vector<5120x32xf32> to vector<5120x32xbf16>
    %slice3A_73 = vector.extract_strided_slice %convert_element_type3A_72 {offsets = [1, 0], sizes = [5119, 32], strides = [1, 1]} : vector<5120x32xbf16> to vector<5119x32xbf16>
    %slice3A_74 = vector.extract_strided_slice %convert_element_type3A_72 {offsets = [0, 0], sizes = [1, 32], strides = [1, 1]} : vector<5120x32xbf16> to vector<1x32xbf16>
    %concatenate3A_75 = tpu.concatenate %slice3A_73, %slice3A_74 in 0 : vector<5119x32xbf16>, vector<1x32xbf16> -> vector<5120x32xbf16>
    %slice3A_76 = vector.extract_strided_slice %convert_element_type3A_72 {offsets = [2, 0], sizes = [5118, 32], strides = [1, 1]} : vector<5120x32xbf16> to vector<5118x32xbf16>
    %slice3A_77 = vector.extract_strided_slice %convert_element_type3A_72 {offsets = [0, 0], sizes = [2, 32], strides = [1, 1]} : vector<5120x32xbf16> to vector<2x32xbf16>
    %concatenate3A_78 = tpu.concatenate %slice3A_76, %slice3A_77 in 0 : vector<5118x32xbf16>, vector<2x32xbf16> -> vector<5120x32xbf16>
    %slice3A_79 = vector.extract_strided_slice %convert_element_type3A_72 {offsets = [3, 0], sizes = [5117, 32], strides = [1, 1]} : vector<5120x32xbf16> to vector<5117x32xbf16>
    %slice3A_80 = vector.extract_strided_slice %convert_element_type3A_72 {offsets = [0, 0], sizes = [3, 32], strides = [1, 1]} : vector<5120x32xbf16> to vector<3x32xbf16>
    %concatenate3A_81 = tpu.concatenate %slice3A_79, %slice3A_80 in 0 : vector<5117x32xbf16>, vector<3x32xbf16> -> vector<5120x32xbf16>
    %concatenate3A_82 = tpu.concatenate %convert_element_type3A_72, %concatenate3A_75, %concatenate3A_78, %concatenate3A_81 in 1 : vector<5120x32xbf16>, vector<5120x32xbf16>, vector<5120x32xbf16>, vector<5120x32xbf16> -> vector<5120x128xbf16>
    %get3A_83 = arith.constant 0 : index
    %get3A_84 = arith.constant 0 : index
    %get3A_85 = vector.load %arg7[%get3A_83, %get3A_84] : memref<128x256xbf16, #tpu.memory_space<vmem>>, vector<128x256xbf16>
    %dot_general3A_86 = arith.constant dense<0.000000e+00> : vector<5120x256xf32>
    %dot_general3A_87 = tpu.matmul %concatenate3A_82, %get3A_85, %dot_general3A_86 {dimension_numbers = #tpu.dot_dimension_numbers<[1], [0], [0], [1], [0, 0, 1, 1], [], []>, transpose_lhs_hint = false} : vector<5120x128xbf16>, vector<128x256xbf16>, vector<5120x256xf32> -> vector<5120x256xf32>
    %get3A_88 = arith.constant 0 : index
    %get3A_89 = arith.constant 0 : index
    %get3A_90 = vector.load %arg8[%get3A_88, %get3A_89] : memref<1x256xf32, #tpu.memory_space<vmem>>, vector<1x256xf32>
    %add3A_91 = vector.broadcast %get3A_90 : vector<1x256xf32> to vector<5120x256xf32>
    %add3A_92 = arith.addf %dot_general3A_87, %add3A_91 : vector<5120x256xf32>
    %gt3A_93 = arith.constant 0.000000e+00 : f32
    %gt3A_94 = vector.broadcast %gt3A_93 : f32 to vector<5120x256xf32>
    %gt3A_95 = arith.cmpf ogt, %add3A_92, %gt3A_94 : vector<5120x256xf32>
    %min3A_96 = arith.constant 0.000000e+00 : f32
    %min3A_97 = vector.broadcast %min3A_96 : f32 to vector<5120x256xf32>
    %min3A_98 = arith.minimumf %add3A_92, %min3A_97 : vector<5120x256xf32>
    %exp3A_99 = math.exp %min3A_98 : vector<5120x256xf32>
    %sub3A_100 = arith.constant 1.000000e+00 : f32
    %sub3A_101 = vector.broadcast %sub3A_100 : f32 to vector<5120x256xf32>
    %sub3A_102 = arith.subf %exp3A_99, %sub3A_101 : vector<5120x256xf32>
    %mul3A_103 = arith.constant 1.67326319 : f32
    %mul3A_104 = vector.broadcast %mul3A_103 : f32 to vector<5120x256xf32>
    %mul3A_105 = arith.mulf %mul3A_104, %sub3A_102 : vector<5120x256xf32>
    %select_n3A_106 = arith.select %gt3A_95, %add3A_92, %mul3A_105 : vector<5120x256xi1>, vector<5120x256xf32>
    %mul3A_107 = arith.constant 1.05070102 : f32
    %mul3A_108 = vector.broadcast %mul3A_107 : f32 to vector<5120x256xf32>
    %mul3A_109 = arith.mulf %mul3A_108, %select_n3A_106 : vector<5120x256xf32>
    %convert_element_type3A_110 = arith.truncf %mul3A_109 : vector<5120x256xf32> to vector<5120x256xbf16>
    %slice3A_111 = vector.extract_strided_slice %convert_element_type3A_110 {offsets = [1, 0], sizes = [5119, 256], strides = [1, 1]} : vector<5120x256xbf16> to vector<5119x256xbf16>
    %slice3A_112 = vector.extract_strided_slice %convert_element_type3A_110 {offsets = [0, 0], sizes = [1, 256], strides = [1, 1]} : vector<5120x256xbf16> to vector<1x256xbf16>
    %concatenate3A_113 = tpu.concatenate %slice3A_111, %slice3A_112 in 0 : vector<5119x256xbf16>, vector<1x256xbf16> -> vector<5120x256xbf16>
    %slice3A_114 = vector.extract_strided_slice %convert_element_type3A_110 {offsets = [2, 0], sizes = [5118, 256], strides = [1, 1]} : vector<5120x256xbf16> to vector<5118x256xbf16>
    %slice3A_115 = vector.extract_strided_slice %convert_element_type3A_110 {offsets = [0, 0], sizes = [2, 256], strides = [1, 1]} : vector<5120x256xbf16> to vector<2x256xbf16>
    %concatenate3A_116 = tpu.concatenate %slice3A_114, %slice3A_115 in 0 : vector<5118x256xbf16>, vector<2x256xbf16> -> vector<5120x256xbf16>
    %slice3A_117 = vector.extract_strided_slice %convert_element_type3A_110 {offsets = [3, 0], sizes = [5117, 256], strides = [1, 1]} : vector<5120x256xbf16> to vector<5117x256xbf16>
    %slice3A_118 = vector.extract_strided_slice %convert_element_type3A_110 {offsets = [0, 0], sizes = [3, 256], strides = [1, 1]} : vector<5120x256xbf16> to vector<3x256xbf16>
    %concatenate3A_119 = tpu.concatenate %slice3A_117, %slice3A_118 in 0 : vector<5117x256xbf16>, vector<3x256xbf16> -> vector<5120x256xbf16>
    %concatenate3A_120 = tpu.concatenate %convert_element_type3A_110, %concatenate3A_113, %concatenate3A_116, %concatenate3A_119 in 1 : vector<5120x256xbf16>, vector<5120x256xbf16>, vector<5120x256xbf16>, vector<5120x256xbf16> -> vector<5120x1024xbf16>
    %get3A_121 = arith.constant 0 : index
    %get3A_122 = arith.constant 0 : index
    %get3A_123 = vector.load %arg9[%get3A_121, %get3A_122] : memref<1024x512xbf16, #tpu.memory_space<vmem>>, vector<1024x512xbf16>
    %dot_general3A_124 = arith.constant dense<0.000000e+00> : vector<5120x512xf32>
    %dot_general3A_125 = tpu.matmul %concatenate3A_120, %get3A_123, %dot_general3A_124 {dimension_numbers = #tpu.dot_dimension_numbers<[1], [0], [0], [1], [0, 0, 1, 1], [], []>, transpose_lhs_hint = false} : vector<5120x1024xbf16>, vector<1024x512xbf16>, vector<5120x512xf32> -> vector<5120x512xf32>
    %reshape3A_126 = vector.shape_cast %dot_general3A_125 : vector<5120x512xf32> to vector<64x80x512xf32>
    %slice3A_127 = vector.extract_strided_slice %reshape3A_126 {offsets = [0, 0, 0], sizes = [64, 74, 512], strides = [1, 1, 1]} : vector<64x80x512xf32> to vector<64x74x512xf32>
    %reduce_max3A_128 = arith.constant dense<0xFF800000> : vector<64x512xf32>
    %reduce_max3A_129 = vector.multi_reduction <maximumf>, %slice3A_127, %reduce_max3A_128 [1] : vector<64x74x512xf32> to vector<64x512xf32>
    %get3A_130 = arith.constant 0 : index
    %get3A_131 = arith.constant 0 : index
    %get3A_132 = vector.load %arg10[%get3A_130, %get3A_131] : memref<1x512xf32, #tpu.memory_space<vmem>>, vector<1x512xf32>
    %add3A_133 = vector.broadcast %get3A_132 : vector<1x512xf32> to vector<64x512xf32>
    %add3A_134 = arith.addf %reduce_max3A_129, %add3A_133 : vector<64x512xf32>
    %gt3A_135 = arith.constant 0.000000e+00 : f32
    %gt3A_136 = vector.broadcast %gt3A_135 : f32 to vector<64x512xf32>
    %gt3A_137 = arith.cmpf ogt, %add3A_134, %gt3A_136 : vector<64x512xf32>
    %min3A_138 = arith.constant 0.000000e+00 : f32
    %min3A_139 = vector.broadcast %min3A_138 : f32 to vector<64x512xf32>
    %min3A_140 = arith.minimumf %add3A_134, %min3A_139 : vector<64x512xf32>
    %exp3A_141 = math.exp %min3A_140 : vector<64x512xf32>
    %sub3A_142 = arith.constant 1.000000e+00 : f32
    %sub3A_143 = vector.broadcast %sub3A_142 : f32 to vector<64x512xf32>
    %sub3A_144 = arith.subf %exp3A_141, %sub3A_143 : vector<64x512xf32>
    %mul3A_145 = arith.constant 1.67326319 : f32
    %mul3A_146 = vector.broadcast %mul3A_145 : f32 to vector<64x512xf32>
    %mul3A_147 = arith.mulf %mul3A_146, %sub3A_144 : vector<64x512xf32>
    %select_n3A_148 = arith.select %gt3A_137, %add3A_134, %mul3A_147 : vector<64x512xi1>, vector<64x512xf32>
    %mul3A_149 = arith.constant 1.05070102 : f32
    %mul3A_150 = vector.broadcast %mul3A_149 : f32 to vector<64x512xf32>
    %mul3A_151 = arith.mulf %mul3A_150, %select_n3A_148 : vector<64x512xf32>
    %convert_element_type3A_152 = arith.truncf %mul3A_68 : vector<64x512xf32> to vector<64x512xbf16>
    %mul3A_153 = arith.constant 64 : i32
    %mul3A_154 = arith.muli %arg0, %mul3A_153 : i32
    %swap3A = arith.index_cast %mul3A_154 : i32 to index
    %swap3A_155 = arith.constant 0 : index
    %swap3A_156 = vector.load %arg20[%swap3A, %swap3A_155] : memref<1024x1024xbf16, #tpu.memory_space<vmem>>, vector<64x512xbf16>
    tpu.vector_store %arg20[%swap3A, %swap3A_155], %convert_element_type3A_152 {strides = array<i32>} : memref<1024x1024xbf16, #tpu.memory_space<vmem>>, vector<64x512xbf16>,
    %convert_element_type3A_157 = arith.truncf %mul3A_151 : vector<64x512xf32> to vector<64x512xbf16>
    %mul3A_158 = arith.constant 64 : i32
    %mul3A_159 = arith.muli %arg0, %mul3A_158 : i32
    %swap3A_160 = arith.index_cast %mul3A_159 : i32 to index
    %swap3A_161 = arith.constant 512 : index
    %swap3A_162 = vector.load %arg20[%swap3A_160, %swap3A_161] : memref<1024x1024xbf16, #tpu.memory_space<vmem>>, vector<64x512xbf16>
    tpu.vector_store %arg20[%swap3A_160, %swap3A_161], %convert_element_type3A_157 {strides = array<i32>} : memref<1024x1024xbf16, #tpu.memory_space<vmem>>, vector<64x512xbf16>,
    %eq3A = arith.constant 15 : i32
    %eq3A_163 = arith.cmpi eq, %arg0, %eq3A : i32
    %convert_element_type3A_164 = arith.extui %eq3A_163 : i1 to i32
    %cond3A = arith.constant 0 : i32
    %cond3A_165 = arith.cmpi ne, %convert_element_type3A_164, %cond3A : i32
    scf.if %cond3A_165 {
      %get3A_166 = arith.constant 0 : index
      %get3A_167 = arith.constant 0 : index
      %get3A_168 = vector.load %arg20[%get3A_166, %get3A_167] : memref<1024x1024xbf16, #tpu.memory_space<vmem>>, vector<1024x1024xbf16>
      %get3A_169 = arith.constant 0 : index
      %get3A_170 = arith.constant 0 : index
      %get3A_171 = vector.load %arg11[%get3A_169, %get3A_170] : memref<1024x1024xbf16, #tpu.memory_space<vmem>>, vector<1024x1024xbf16>
      %dot_general3A_172 = arith.constant dense<0.000000e+00> : vector<1024x1024xf32>
      %dot_general3A_173 = tpu.matmul %get3A_168, %get3A_171, %dot_general3A_172 {dimension_numbers = #tpu.dot_dimension_numbers<[1], [0], [0], [1], [0, 0, 1, 1], [], []>, transpose_lhs_hint = false} : vector<1024x1024xbf16>, vector<1024x1024xbf16>, vector<1024x1024xf32> -> vector<1024x1024xf32>
      %get3A_174 = arith.constant 0 : index
      %get3A_175 = arith.constant 0 : index
      %get3A_176 = vector.load %arg12[%get3A_174, %get3A_175] : memref<1x1024xf32, #tpu.memory_space<vmem>>, vector<1x1024xf32>
      %add3A_177 = vector.broadcast %get3A_176 : vector<1x1024xf32> to vector<1024x1024xf32>
      %add3A_178 = arith.addf %dot_general3A_173, %add3A_177 : vector<1024x1024xf32>
      %max3A = arith.constant 0.000000e+00 : f32
      %max3A_179 = vector.broadcast %max3A : f32 to vector<1024x1024xf32>
      %max3A_180 = arith.maximumf %add3A_178, %max3A_179 : vector<1024x1024xf32>
      %convert_element_type3A_181 = arith.truncf %max3A_180 : vector<1024x1024xf32> to vector<1024x1024xbf16>
      %get3A_182 = arith.constant 0 : index
      %get3A_183 = arith.constant 0 : index
      %get3A_184 = vector.load %arg13[%get3A_182, %get3A_183] : memref<1024x1024xbf16, #tpu.memory_space<vmem>>, vector<1024x1024xbf16>
      %dot_general3A_185 = arith.constant dense<0.000000e+00> : vector<1024x1024xf32>
      %dot_general3A_186 = tpu.matmul %convert_element_type3A_181, %get3A_184, %dot_general3A_185 {dimension_numbers = #tpu.dot_dimension_numbers<[1], [0], [0], [1], [0, 0, 1, 1], [], []>, transpose_lhs_hint = false} : vector<1024x1024xbf16>, vector<1024x1024xbf16>, vector<1024x1024xf32> -> vector<1024x1024xf32>
      %get3A_187 = arith.constant 0 : index
      %get3A_188 = arith.constant 0 : index
      %get3A_189 = vector.load %arg14[%get3A_187, %get3A_188] : memref<1x1024xf32, #tpu.memory_space<vmem>>, vector<1x1024xf32>
      %add3A_190 = vector.broadcast %get3A_189 : vector<1x1024xf32> to vector<1024x1024xf32>
      %add3A_191 = arith.addf %dot_general3A_186, %add3A_190 : vector<1024x1024xf32>
      %max3A_192 = arith.constant 0.000000e+00 : f32
      %max3A_193 = vector.broadcast %max3A_192 : f32 to vector<1024x1024xf32>
      %max3A_194 = arith.maximumf %add3A_191, %max3A_193 : vector<1024x1024xf32>
      %convert_element_type3A_195 = arith.truncf %max3A_194 : vector<1024x1024xf32> to vector<1024x1024xbf16>
      %get3A_196 = arith.constant 0 : index
      %get3A_197 = arith.constant 0 : index
      %get3A_198 = vector.load %arg15[%get3A_196, %get3A_197] : memref<1024x1024xbf16, #tpu.memory_space<vmem>>, vector<1024x1024xbf16>
      %dot_general3A_199 = arith.constant dense<0.000000e+00> : vector<1024x1024xf32>
      %dot_general3A_200 = tpu.matmul %convert_element_type3A_195, %get3A_198, %dot_general3A_199 {dimension_numbers = #tpu.dot_dimension_numbers<[1], [0], [0], [1], [0, 0, 1, 1], [], []>, transpose_lhs_hint = false} : vector<1024x1024xbf16>, vector<1024x1024xbf16>, vector<1024x1024xf32> -> vector<1024x1024xf32>
      %get3A_201 = arith.constant 0 : index
      %get3A_202 = arith.constant 0 : index
      %get3A_203 = vector.load %arg16[%get3A_201, %get3A_202] : memref<1x1024xf32, #tpu.memory_space<vmem>>, vector<1x1024xf32>
      %add3A_204 = vector.broadcast %get3A_203 : vector<1x1024xf32> to vector<1024x1024xf32>
      %add3A_205 = arith.addf %dot_general3A_200, %add3A_204 : vector<1024x1024xf32>
      %max3A_206 = arith.constant 0.000000e+00 : f32
      %max3A_207 = vector.broadcast %max3A_206 : f32 to vector<1024x1024xf32>
      %max3A_208 = arith.maximumf %add3A_205, %max3A_207 : vector<1024x1024xf32>
      %convert_element_type3A_209 = arith.truncf %max3A_208 : vector<1024x1024xf32> to vector<1024x1024xbf16>
      %get3A_210 = arith.constant 0 : index
      %get3A_211 = arith.constant 0 : index
      %get3A_212 = vector.load %arg17[%get3A_210, %get3A_211] : memref<1024x1xbf16, #tpu.memory_space<vmem>>, vector<1024x1xbf16>
      %dot_general3A_213 = arith.constant dense<0.000000e+00> : vector<1024x1xf32>
      %dot_general3A_214 = tpu.matmul %convert_element_type3A_209, %get3A_212, %dot_general3A_213 {dimension_numbers = #tpu.dot_dimension_numbers<[1], [0], [0], [1], [0, 0, 1, 1], [], []>, transpose_lhs_hint = false} : vector<1024x1024xbf16>, vector<1024x1xbf16>, vector<1024x1xf32> -> vector<1024x1xf32>
      %get3A_215 = arith.constant 0 : index
      %get3A_216 = arith.constant 0 : index
      %get3A_217 = vector.load %arg18[%get3A_215, %get3A_216] : memref<1x1xf32, #tpu.memory_space<vmem>>, vector<1x1xf32>
      %add3A_218 = vector.broadcast %get3A_217 : vector<1x1xf32> to vector<1024x1xf32>
      %add3A_219 = arith.addf %dot_general3A_214, %add3A_218 : vector<1024x1xf32>
      %logistic3A = arith.negf %add3A_219 : vector<1024x1xf32>
      %logistic3A_220 = math.exp %logistic3A : vector<1024x1xf32>
      %logistic3A_221 = arith.constant 1.000000e+00 : f32
      %logistic3A_222 = vector.broadcast %logistic3A_221 : f32 to vector<1024x1xf32>
      %logistic3A_223 = arith.addf %logistic3A_222, %logistic3A_220 : vector<1024x1xf32>
      %logistic3A_224 = arith.divf %logistic3A_222, %logistic3A_223 : vector<1024x1xf32>
      %swap3A_225 = arith.constant 0 : index
      %swap3A_226 = arith.constant 0 : index
      %swap3A_227 = vector.load %arg19[%swap3A_225, %swap3A_226] : memref<1024x1xf32, #tpu.memory_space<vmem>>, vector<1024x1xf32>
      tpu.vector_store %arg19[%swap3A_225, %swap3A_226], %logistic3A_224 {strides = array<i32>} : memref<1024x1xf32, #tpu.memory_space<vmem>>, vector<1024x1xf32>,
    } else {
    }
    return
  }
  func.func @transform_0(%arg0: i32) -> (i32, i32) {
    %c0_i32 = arith.constant 0 : i32
    %c0_i32_0 = arith.constant 0 : i32
    return %arg0, %c0_i32 : i32, i32
  }
  func.func @transform_1(%arg0: i32) -> (i32, i32) {
    %c0_i32 = arith.constant 0 : i32
    %c0_i32_0 = arith.constant 0 : i32
    return %arg0, %c0_i32 : i32, i32
  }
  func.func @transform_2(%arg0: i32) -> (i32, i32) {
    %c0_i32 = arith.constant 0 : i32
    %c0_i32_0 = arith.constant 0 : i32
    %c0_i32_1 = arith.constant 0 : i32
    return %c0_i32, %c0_i32_0 : i32, i32
  }
  func.func @transform_3(%arg0: i32) -> (i32, i32) {
    %c0_i32 = arith.constant 0 : i32
    %c0_i32_0 = arith.constant 0 : i32
    %c0_i32_1 = arith.constant 0 : i32
    return %c0_i32, %c0_i32_0 : i32, i32
  }
  func.func @transform_4(%arg0: i32) -> (i32, i32) {
    %c0_i32 = arith.constant 0 : i32
    %c0_i32_0 = arith.constant 0 : i32
    %c0_i32_1 = arith.constant 0 : i32
    return %c0_i32, %c0_i32_0 : i32, i32
  }
  func.func @transform_5(%arg0: i32) -> (i32, i32) {
    %c0_i32 = arith.constant 0 : i32
    %c0_i32_0 = arith.constant 0 : i32
    %c0_i32_1 = arith.constant 0 : i32
    return %c0_i32, %c0_i32_0 : i32, i32
  }
  func.func @transform_6(%arg0: i32) -> (i32, i32) {
    %c0_i32 = arith.constant 0 : i32
    %c0_i32_0 = arith.constant 0 : i32
    %c0_i32_1 = arith.constant 0 : i32
    return %c0_i32, %c0_i32_0 : i32, i32
  }
  func.func @transform_7(%arg0: i32) -> (i32, i32) {
    %c0_i32 = arith.constant 0 : i32
    %c0_i32_0 = arith.constant 0 : i32
    %c0_i32_1 = arith.constant 0 : i32
    return %c0_i32, %c0_i32_0 : i32, i32
  }
  func.func @transform_8(%arg0: i32) -> (i32, i32) {
    %c0_i32 = arith.constant 0 : i32
    %c0_i32_0 = arith.constant 0 : i32
    %c0_i32_1 = arith.constant 0 : i32
    return %c0_i32, %c0_i32_0 : i32, i32
  }
  func.func @transform_9(%arg0: i32) -> (i32, i32) {
    %c0_i32 = arith.constant 0 : i32
    %c0_i32_0 = arith.constant 0 : i32
    %c0_i32_1 = arith.constant 0 : i32
    return %c0_i32, %c0_i32_0 : i32, i32
  }
  func.func @transform_10(%arg0: i32) -> (i32, i32) {
    %c0_i32 = arith.constant 0 : i32
    %c0_i32_0 = arith.constant 0 : i32
    %c0_i32_1 = arith.constant 0 : i32
    return %c0_i32, %c0_i32_0 : i32, i32
  }
  func.func @transform_11(%arg0: i32) -> (i32, i32) {
    %c0_i32 = arith.constant 0 : i32
    %c0_i32_0 = arith.constant 0 : i32
    %c0_i32_1 = arith.constant 0 : i32
    return %c0_i32, %c0_i32_0 : i32, i32
  }
  func.func @transform_12(%arg0: i32) -> (i32, i32) {
    %c0_i32 = arith.constant 0 : i32
    %c0_i32_0 = arith.constant 0 : i32
    %c0_i32_1 = arith.constant 0 : i32
    return %c0_i32, %c0_i32_0 : i32, i32
  }
  func.func @transform_13(%arg0: i32) -> (i32, i32) {
    %c0_i32 = arith.constant 0 : i32
    %c0_i32_0 = arith.constant 0 : i32
    %c0_i32_1 = arith.constant 0 : i32
    return %c0_i32, %c0_i32_0 : i32, i32
  }
  func.func @transform_14(%arg0: i32) -> (i32, i32) {
    %c0_i32 = arith.constant 0 : i32
    %c0_i32_0 = arith.constant 0 : i32
    %c0_i32_1 = arith.constant 0 : i32
    return %c0_i32, %c0_i32_0 : i32, i32
  }
  func.func @transform_15(%arg0: i32) -> (i32, i32) {
    %c0_i32 = arith.constant 0 : i32
    %c0_i32_0 = arith.constant 0 : i32
    %c0_i32_1 = arith.constant 0 : i32
    return %c0_i32, %c0_i32_0 : i32, i32
  }
  func.func @transform_16(%arg0: i32) -> (i32, i32) {
    %c0_i32 = arith.constant 0 : i32
    %c0_i32_0 = arith.constant 0 : i32
    %c0_i32_1 = arith.constant 0 : i32
    return %c0_i32, %c0_i32_0 : i32, i32
  }
  func.func @transform_17(%arg0: i32) -> (i32, i32) {
    %c0_i32 = arith.constant 0 : i32
    %c0_i32_0 = arith.constant 0 : i32
    %c0_i32_1 = arith.constant 0 : i32
    return %c0_i32, %c0_i32_0 : i32, i32
  }
  func.func @transform_18(%arg0: i32) -> (i32, i32) {
    %c0_i32 = arith.constant 0 : i32
    %c0_i32_0 = arith.constant 0 : i32
    %c0_i32_1 = arith.constant 0 : i32
    return %c0_i32, %c0_i32_0 : i32, i32
  }
}

</mosaic_0001>

<sc_bundles>
// kernel: kernel.5.cloned.1.call-start
scs
__scs_entry_jumppad:
0x0: {  	(pc) =	sbr.rel $0x88, $3  }
0x1: {  	(tag) =	ssettag $0x0;
	lr =	simm.s32 $0x1  }
0x2: {  	[smem:$0x3F8D] =	sst lr;
	_ =	strace $0xD0000000  }
0x3: {  	_ = 	snop  }
0x4: {  	_ = 	snop  }
0x5: {  	_ = 	snop  }
0x6: {  	_ = 	snop  }
0x7: {  	_ = 	snop  }
__scs_overlays_trampoline_lowered:
0x8: {  	[smem:$0x3F9C] =	sst s0  }
0x9: {  	[smem:$0x3F9D] =	sst s1  }
0xa: {  	[smem:$0x3F9E] =	sst s2  }
0xb: {  	[smem:$0x3F9F] =	sst s3  }
0xc: {  	[smem:$0x3FA0] =	sst s4  }
0xd: {  	[smem:$0x3FA1] =	sst s5  }
0xe: {  	[smem:$0x3FA2] =	sst s6  }
0xf: {  	[smem:$0x3FA3] =	sst s7  }
0x10: {  	[smem:$0x3FA4] =	sst s8  }
0x11: {  	[smem:$0x3FA5] =	sst s9;
	s0 =	simm.s32 @!p0 $0x0  }
0x12: {  	s1 =	sld [smem:$0x3F8B];
	s0 =	simm.s32 @p0 $0x1  }
0x13: {  	[smem:$0x3FA6] =	sst s0;
	s0 =	simm.s32 @!p1 $0x0  }
0x14: {  	s2 =	sld [smem:$0x3F8A];
	s0 =	simm.s32 @p1 $0x1  }
0x15: {  	[smem:$0x3FA7] =	sst s0;
	s0 =	simm.s32 @!p2 $0x0  }
0x16: {  	s3 =	sld [smem:$0x3FDB];
	s0 =	simm.s32 @p2 $0x1  }
0x17: {  	s4 =	simm.s32 $0x1BF5;
	[smem:$0x3FA9] =	sst s0  }
0x18: {  	s0 =	sld [smem:$0x3F8C];
	_ =	swait.ge [sflag:s4], $0x0  }
0x19: {  	s7 =	sld [smem:$0x3F8D]  }
0x1a: {  	s8 =	sadd.s32 $0xFFFFE003, lr  }
0x1b: {  	s9 =	sadd.s32 $0xFFFFFEF7, lr;
	s5 =	simm.s32 $0xFFFFFFFF;
	p2 =	slt.u32 s8, $0xFFFFF086  }
0x1c: {  	p1 =	slt.u32 s9, $0xF7A;
	s5 =	simm.s32 @!p2 $0x0  }
0x1d: {  	s5 =	simm.s32 @p1 $0x1;
	p0 =	seq.s32 s7, s2  }
0x1e: {  	s7 =	smul.u32 @!p0 $0xF7A, s2;
	p2 =	seq.s32 @!p0 s5, $0x0  }
0x1f: {  	s9 =	smul.u32 $0xF7A, s1;
	s8 =	simm.s32 @!p0 $0x1BF5;
	p2 =	por !p2, p0  }
0x20: {  	[sflag:s8] =	ssyncset.s32 @!p0 $0xFFFFF086;
	s6 =	sadd.s32 @!p0 s3, s7;
	s7 =	simm.s32 @!p0 $0x108  }
0x21: {  	s3 =	sadd.s32 s3, s9;
	s6 =	sadd.s32 @!p0 $0x88, s6;
	s7 =	simm.s32 @p2 $0x1082  }
0x22: {  	[simem:s7], [sflag:s8] =	dma.local @!p0 [hbm:s6], $0xF7A  }
0x23: {  	s9 =	sor.u32 $0xD0000000, s2;
	s6 =	simm.s32 $0x108;
	_ =	swait.ge @!p0 [sflag:s8], $0x0  }
0x24: {  	s3 =	sadd.s32 $0x88, s3;
	s6 =	simm.s32 @!p1 $0x1082;
	[sflag:s4] =	ssyncset.s32 $0xFFFFF086  }
0x25: {  	[simem:s6], [sflag:s4] =	dma.local [hbm:s3], $0xF7A  }
0x26: {  	[smem:$0x3F8D] =	sst s1;
	(tag) =	ssettag s2;
	_ =	strace s9  }
0x27: {  	s1 =	sld [smem:$0x3F9D]  }
0x28: {  	s2 =	sld [smem:$0x3F9E]  }
0x29: {  	s4 =	sld [smem:$0x3FA0]  }
0x2a: {  	p0 =	seq.s32 s5, $0x0;
	s5 =	sld [smem:$0x3FA1]  }
0x2b: {  	s6 =	sld [smem:$0x3FA2]  }
0x2c: {  	s7 =	sld [smem:$0x3FA3]  }
0x2d: {  	s3 =	simm.s32 $0x108;
	s8 =	sld [smem:$0x3FA4]  }
0x2e: {  	s3 =	simm.s32 @!p0 $0x1082;
	s9 =	sld [smem:$0x3FA5]  }
0x2f: {  	lr =	sadd.s32 s0, s3;
	s0 =	sld [smem:$0x3F9C]  }
0x30: {  	s3 =	sld [smem:$0x3F9F]  }
0x31: {  	[smem:$0x3FA8] =	sst s10  }
0x32: {  	s10 =	sld [smem:$0x3FA6];
	_ =	sdelay $0x3  }
0x33: {  	p0 =	seq.s32 s10, $0x1;
	s10 =	sld [smem:$0x3FA8];
	_ =	sdelay $0x3  }
0x34: {  	[smem:$0x3FA8] =	sst s10  }
0x35: {  	s10 =	sld [smem:$0x3FA7];
	_ =	sdelay $0x3  }
0x36: {  	p1 =	seq.s32 s10, $0x1;
	s10 =	sld [smem:$0x3FA8];
	_ =	sdelay $0x3  }
0x37: {  	[smem:$0x3FA8] =	sst s10  }
0x38: {  	s10 =	sld [smem:$0x3FA9]  }
0x39: {  	_ = 	snop;
	(pc) =	sbr.ind lr, $3  }
0x3a: {  	_ = 	snop  }
0x3b: {  	_ = 	snop  }
0x3c: {  	p2 =	seq.s32 s10, $0x1;
	s10 =	sld [smem:$0x3FA8]  }
0x3d: {  	_ =	shalt  }
0x3e: {  	_ =	shalt  }
0x3f: {  	_ =	shalt  }
0x40: {  	_ =	shalt  }
0x41: {  	_ =	shalt  }
0x42: {  	_ =	shalt  }
0x43: {  	_ =	shalt  }
0x44: {  	_ =	shalt  }
0x45: {  	_ =	shalt  }
0x46: {  	_ =	shalt  }
0x47: {  	_ =	shalt  }
0x48: {  	_ =	shalt  }
0x49: {  	_ =	shalt  }
0x4a: {  	_ =	shalt  }
0x4b: {  	_ =	shalt  }
0x4c: {  	_ =	shalt  }
0x4d: {  	_ =	shalt  }
0x4e: {  	_ =	shalt  }
0x4f: {  	_ =	shalt  }
0x50: {  	_ =	shalt  }
0x51: {  	_ =	shalt  }
0x52: {  	_ =	shalt  }
0x53: {  	_ =	shalt  }
0x54: {  	_ =	shalt  }
0x55: {  	_ =	shalt  }
0x56: {  	_ =	shalt  }
0x57: {  	_ =	shalt  }
0x58: {  	_ =	shalt  }
0x59: {  	_ =	shalt  }
0x5a: {  	_ =	shalt  }
0x5b: {  	_ =	shalt  }
0x5c: {  	_ =	shalt  }
0x5d: {  	_ =	shalt  }
0x5e: {  	_ =	shalt  }
0x5f: {  	_ =	shalt  }
0x60: {  	_ =	shalt  }
0x61: {  	_ =	shalt  }
0x62: {  	_ =	shalt  }
0x63: {  	_ =	shalt  }
0x64: {  	_ =	shalt  }
0x65: {  	_ =	shalt  }
0x66: {  	_ =	shalt  }
0x67: {  	_ =	shalt  }
0x68: {  	_ =	shalt  }
0x69: {  	_ =	shalt  }
0x6a: {  	_ =	shalt  }
0x6b: {  	_ =	shalt  }
0x6c: {  	_ =	shalt  }
0x6d: {  	_ =	shalt  }
0x6e: {  	_ =	shalt  }
0x6f: {  	_ =	shalt  }
0x70: {  	_ =	shalt  }
0x71: {  	_ =	shalt  }
0x72: {  	_ =	shalt  }
0x73: {  	_ =	shalt  }
0x74: {  	_ =	shalt  }
0x75: {  	_ =	shalt  }
0x76: {  	_ =	shalt  }
0x77: {  	_ =	shalt  }
0x78: {  	_ =	shalt  }
0x79: {  	_ =	shalt  }
0x7a: {  	_ =	shalt  }
0x7b: {  	_ =	shalt  }
0x7c: {  	_ =	shalt  }
0x7d: {  	_ =	shalt  }
0x7e: {  	_ =	shalt  }
0x7f: {  	_ =	shalt  }
0x80: {  	_ =	shalt  }
0x81: {  	_ =	shalt  }
0x82: {  	_ =	shalt  }
0x83: {  	_ =	shalt  }
0x84: {  	_ =	shalt  }
0x85: {  	_ =	shalt  }
0x86: {  	_ =	shalt  }
0x87: {  	_ =	shalt  }
.Lfunc_end0:
.L_simem_size_0:
called_computation_lowered:
.L_overlay_start_0:
0x88: {  	s2 =	sld [smem:$0x3FD9]  }
0x89: {  	s3 =	sld [smem:$0x3FFE];
	_ =	sdelay $0x1  }
0x8a: {  	s1 =	srdreg.scid  }
0x8b: {  	s0 =	sand.u32 $0x1, s1  }
0x8c: {  	s17 =	sshll.u32 s0, $0xA;
	s2 =	sadd.s32 s3, s2  }
0x8d: {  	s2 =	sadd.s32 s2, s17  }
0x8e: {  	[smem:$0x3FB4] =	sst s2  }
0x8f: {  	_ = 	snop  }
0x90: {  	(tm) =	ssettm $0x1  }
0x91: {  	s18 =	sld [smem:$0x3FFB];
	_ =	sdelay $0x3  }
0x92: {  	_ =	strace s18  }
0x93: {  	s2 =	sld [smem:$0x3FFC];
	_ =	sdelay $0x3  }
0x94: {  	_ =	strace s2  }
0x95: {  	s2 =	sld [smem:$0x3FFD];
	_ =	sdelay $0x3  }
0x96: {  	_ =	strace s2  }
0x97: {  	_ =	strace $0x8FFFFFFF  }
0x98: {  	s19 =	sld [smem:$0x3FDB];
	_ =	sdelay $0x1  }
0x99: {  	s20 =	simm.s32 $_scs_section_size  }
0x9a: {  	s4 =	simm.s32 $_size__tile_overlayer_lowered;
	s5 =	simm.s32 $_tile_overlayer_lowered  }
0x9b: {  	s6 =	simm.s32 $0x1BFF;
	s21 =	sshll.u32 s5, $0x1;
	s3 =	sadd.s32 s20, s19  }
0x9c: {  	s22 =	simm.s32 $0x0;
	s4 =	sshll.u32 s4, $0x1;
	s5 =	sadd.s32 s21, s3  }
0x9d: {  	[timem:s22], [sflag:s6] =	dma.local [hbm:s5], s4  }
0x9e: {  	_ =	swait.ge [sflag:s6], s4  }
0x9f: {  	s4 =	ssub.s32 $0x0, s4;
	[sflag:s6] =	ssyncset.done $0x0  }
0xa0: {  	[sflag:s6] =	ssyncadd.s32 s4;
	_ =	sdelay $0x1  }
0xa1: {  	s23 =	simm.s32 $0x1B8B  }
0xa2: {  	_ =	swait.ge [sflag:s23], $0x1  }
0xa3: {  	[sflag:s23] =	ssyncset.done $0x0  }
0xa4: {  	[sflag:s23] =	ssyncadd.s32 $0xFFFFFFFF  }
0xa5: {  	s4 =	sld [smem:$0x0]  }
0xa6: {  	s5 =	sand.u32 $0xFFFFFFFE, s1  }
0xa7: {  	p0 =	sne.s32 s1, s5  }
0xa8: {  	s5 =	sshll.u32 @p0 s5, $0xE  }
0xa9: {  	s5 =	sadd.s32 @p0 $0x11B8D, s5;
	s6 =	sshll.u32 @p0 s4, $0x11  }
0xaa: {  	s5 =	sor.u32 @p0 s6, s5  }
0xab: {  	[sflag:s5] =	ssyncadd.remote.s32 @p0 $0x1;
	_ =	sdelay $0x1  }
0xac: {  	s5 =	simm.s32 @p0 $0x1B8D  }
0xad: {  	_ =	swait.eq @p0 [sflag:s5], $0x1  }
0xae: {  	[sflag:s5] =	ssyncadd.s32 @p0 $0xFFFFFFFF  }
0xaf: {  	s6 =	sshll.u32 @!p0 s1, $0xE  }
0xb0: {  	s6 =	sor.u32 @!p0 $0x4000, s6;
	s5 =	simm.s32 @!p0 $0x1B8D  }
0xb1: {  	s4 =	sshll.u32 @!p0 s4, $0x11;
	s6 =	sadd.s32 @!p0 $0x11B8D, s6;
	_ =	swait.eq @!p0 [sflag:s5], $0x1  }
0xb2: {  	s4 =	sor.u32 @!p0 s4, s6;
	[sflag:s5] =	ssyncadd.s32 @!p0 $0xFFFFFFFF  }
0xb3: {  	s25 =	simm.s32 $0x1B8E;
	s24 =	sld [smem:$0x3FFE];
	[sflag:s4] =	ssyncadd.remote.s32 @!p0 $0x1  }
0xb4: {  	s26 =	simm.s32 $execute0_lowered;
	[smem:$0x3FD2] =	sst s25  }
0xb5: {  	s5 =	sshll.u32 s26, $0x1;
	_ =	strace $0x80000049;
	[dreg:$0x1] =	wrdreg $0xFFFFFFFF  }
0xb6: {  	s28 =	simm.s32 $_size_execute0_lowered;
	s3 =	sadd.s32 s3, s5;
	[dreg:$0x0] =	wrdreg $0x0  }
0xb7: {  	s5 =	sshll.u32 s28, $0x1;
	[dreg:$0x2] =	wrdreg s3  }
0xb8: {  	[dreg:$0x3] =	wrdreg s5  }
0xb9: {  	[dreg:$0x4] =	wrdreg $0xC0  }
0xba: {  	_ =	task [dreg:s22], $0x5FFFF  }
0xbb: {  	[dreg:$0x1] =	wrdreg $0xFFFFFFFF  }
0xbc: {  	[dreg:$0x0] =	wrdreg $0x60  }
0xbd: {  	[dreg:$0x2] =	wrdreg s24  }
0xbe: {  	[dreg:$0x3] =	wrdreg $0x9  }
0xbf: {  	_ =	task.clear_ibuf [dreg:s22], $0x4FFFF;
	_ =	strace $0x90000049  }
0xc0: {  	s29 =	simm.s32 $0x9;
	_ =	strace $0x8000004B  }
0xc1: {  	_ =	swait.ge [sflag:s29], $0x1  }
0xc2: {  	[sflag:s29] =	ssyncadd.s32 $0xFFFFFFFF  }
0xc3: {  	_ =	strace $0x9000004B  }
0xc4: {  	_ =	sfence  }
0xc5: {  	s30 =	sld [smem:$0x0];
	_ =	sdelay $0x2  }
0xc6: {  	s31 =	sshll.u32 s1, $0xD;
	s1 =	sshrl.u32 s1, $0x2  }
0xc7: {  	s4 =	sand.u32 $0x4000, s31;
	s1 =	sadd.s32 s1, s30  }
0xc8: {  	s0 =	sor.u32 s4, s0;
	s1 =	sshll.u32 s1, $0x11  }
0xc9: {  	s0 =	sor.u32 s1, s0  }
0xca: {  	s0 =	sadd.s32 $0x8F2B, s0  }
0xcb: {  	[sflag:s0] =	ssyncadd.remote.s32 $0x1  }
0xcc: {  	_ =	sfence.sel $0xFFFF  }
0xcd: {  	[dreg:$0x0] =	wrdreg $0xFFFFFFFF;
	(pc) =	sbr.abs _section_cstart, $3  }
0xce: {  	[dreg:$0x1] =	wrdreg $0xFFFFFFFF  }
0xcf: {  	_ =	task.clear_ibuf [dreg:s22], $0x2FFFF;
	_ =	strace $0x9FFFFFFF  }
0xd0: {  	(tm) =	ssettm $0x7FFFFFFF  }
0xd1: {  	_ =	shalt  }
tec
execute0_lowered:
.L_overlay_start_1:
0x0: {  	(tag) =	ssettag $0x1  }
0x1: {  	s4 =	rddreg [dreg:$0x0]  }
0x2: {  	s0 =	rddreg [dreg:$0x1];
	s2 =	simm.s32 $0x0;
	s1 =	stileid.u32  }
0x3: {  	s3 =	srdreg.scid;
	s10 =	simm.s32 $0x0;
	s6 =	smul.u32 $0x1400, s1  }
0x4: {  	[smem:$0x7FF] =	sst s2;
	s5 =	sand.u32 $0x1, s3;
	s8 =	smul.u32 $0x14000, s1  }
0x5: {  	s3 =	sadd.s32 $0x145200, s4;
	s7 =	smul.u32 $0xA00, s5;
	s9 =	ssub.s32 $0x2, s5  }
0x6: {  	_ =	strace $0x8000004A;
	s5 =	smul.u32 $0xA000, s5;
	s31 =	sshrl.u32 s9, $0x1  }
0x7: {  	s8 =	sadd.s32 s8, s4;
	s6 =	sadd.s32 s7, s6;
	s7 =	ssub.s32 s9, s31  }
0x8: {  	s5 =	sadd.s32 s5, s8;
	s8 =	simm.s32 $0x100;
	s6 =	sshrl.u32 s6, $0x3  }
0x9: {  	s9 =	simm.s32 $0x1;
	s5 =	sadd.s32 $0x147E00, s5;
	s6 =	sadd.s32 s6, s4  }
0xa: {  	s4 =	smax.u32 s7, $0x1;
	s7 =	simm.s32 $0x2;
	s6 =	sadd.s32 $0x145600, s6  }
.LBB2_1:
0xb: {  	s11 =	sadd.s32 $0x0, s6  }
0xc: {  	[tilespmem:s2], [sflag:$0x2] =	stream.linear.gather [hbm4b:s11+s2], $0x100, $0x38;
	[tilespmem:$0x8100] =	vst v63  }
0xd: {  	_ =	swait.ge [sflag:s7], $0x100  }
0xe: {  	[sflag:s7] =	ssyncset.done $0x0  }
0xf: {  	[sflag:s7] =	ssyncadd.s32 $0xFFFFFF00  }
0x10: {  	[tilespmem:s8], [sflag:$0x1] =	stream.indirect.gather [hbm4b:s3+s8], $0x80, s2, s8, $0xb8;
	[tilespmem:$0x8100] =	vst v63  }
0x11: {  	_ =	swait.ge [sflag:s9], $0x8000  }
0x12: {  	[sflag:s9] =	ssyncset.done $0x0  }
0x13: {  	[sflag:s9] =	ssyncadd.s32 $0xFFFF8000  }
0x14: {  	[hbm4b:s5+s2] =	stream.linear.scatter [tilespmem:s8], [sflag:$0x2], $0x8000, $0x38;
	[tilespmem:$0x8100] =	vst v63  }
0x15: {  	s12 =	simm.s32 $0x20;
	_ =	swait.ge [sflag:s7], $0x8000  }
0x16: {  	s13 =	simm.s32 $0x40;
	s11 =	sadd.s32 $0x1000, s5;
	[sflag:s7] =	ssyncset.done $0x0  }
.LBB2_2:
0x17: {  	s14 =	sadd.s32 s12, s6  }
0x18: {  	[sflag:s7] =	ssyncadd.s32 $0xFFFF8000;
	s12 =	smov.u32 s13;
	s15 =	sadd.s32 $0x20, s13  }
0x19: {  	[tilespmem:s2], [sflag:$0x2] =	stream.linear.gather [hbm4b:s14+s2], $0x100, $0x38;
	[tilespmem:$0x8100] =	vst v63  }
0x1a: {  	p0 =	sne.s32 s13, $0x120;
	_ =	swait.ge [sflag:s7], $0x100  }
0x1b: {  	[sflag:s7] =	ssyncset.done $0x0  }
0x1c: {  	[sflag:s7] =	ssyncadd.s32 $0xFFFFFF00  }
0x1d: {  	[tilespmem:s8], [sflag:$0x1] =	stream.indirect.gather [hbm4b:s3+s8], $0x80, s2, s8, $0xb8;
	[tilespmem:$0x8100] =	vst v63  }
0x1e: {  	_ =	swait.ge [sflag:s9], $0x8000  }
.Ltmp0:
0x1f: {  	[sflag:s9] =	ssyncset.done $0x0;
	(pc) =	sbr.rel @p0 .LBB2_2-.Ltmp0, $4  }
0x20: {  	[sflag:s9] =	ssyncadd.s32 $0xFFFF8000  }
0x21: {  	[hbm4b:s11+s2] =	stream.linear.scatter [tilespmem:s8], [sflag:$0x2], $0x8000, $0x38;
	[tilespmem:$0x8100] =	vst v63  }
0x22: {  	_ =	swait.ge [sflag:s7], $0x8000  }
0x23: {  	s13 =	smov.u32 s15;
	s11 =	sadd.s32 $0x1000, s11;
	[sflag:s7] =	ssyncset.done $0x0  }
0x24: {  	s12 =	sadd.s32 s12, s6;
	[sflag:s7] =	ssyncadd.s32 $0xFFFF8000  }
0x25: {  	[tilespmem:s2], [sflag:$0x2] =	stream.linear.gather [hbm4b:s12+s2], $0x100, $0x38;
	[tilespmem:$0x8100] =	vst v63  }
0x26: {  	_ =	swait.ge [sflag:s7], $0x100  }
0x27: {  	[sflag:s7] =	ssyncset.done $0x0  }
0x28: {  	[sflag:s7] =	ssyncadd.s32 $0xFFFFFF00  }
0x29: {  	[tilespmem:s8], [sflag:$0x1] =	stream.indirect.gather [hbm4b:s3+s8], $0x80, s2, s8, $0xb8;
	[tilespmem:$0x8100] =	vst v63  }
0x2a: {  	s10 =	sadd.s32 $0x1, s10;
	_ =	swait.ge [sflag:s9], $0x8000  }
0x2b: {  	p0 =	sne.s32 s10, s4;
	[sflag:s9] =	ssyncset.done $0x0  }
.Ltmp1:
0x2c: {  	[sflag:s9] =	ssyncadd.s32 $0xFFFF8000;
	(pc) =	sbr.rel @p0 .LBB2_1-.Ltmp1, $4  }
0x2d: {  	[hbm4b:s11+s2] =	stream.linear.scatter [tilespmem:s8], [sflag:$0x2], $0x8000, $0x38;
	[tilespmem:$0x8100] =	vst v63  }
0x2e: {  	_ =	swait.ge [sflag:s7], $0x8000  }
0x2f: {  	[sflag:s7] =	ssyncset.done $0x0  }
0x30: {  	[sflag:s7] =	ssyncadd.s32 $0xFFFF8000  }
0x31: {  	_ =	sfence.sel $0x180000  }
0x32: {  	[bflag:$0x0] =	sbarrier.arrive $0xFFFF  }
0x33: {  	p0 =	sne.s32 s1, $0x0;
	_ =	strace $0x9000004A  }
0x34: {  	s0 =	sadd.s32 @!p0 $0x100000, s0;
	[bflag:$0x2] =	sbarrier.arrive $0xFFFF  }
0x35: {  	[sflag:s0] =	ssyncadd.tile.s32 @!p0 $0x1;
	_ =	shalt  }
.Lfunc_end2:
_tile_overlayer_lowered:
.L_overlay_start_2:
0x36: {  	(tag) =	ssettag $0x2  }
0x37: {  	s0 =	rddreg [dreg:$0x0];
	s2 =	stileid.u32  }
0x38: {  	s1 =	rddreg [dreg:$0x1];
	p0 =	sne.s32 s2, $0x0  }
0x39: {  	s3 =	rddreg [dreg:$0x2];
	[bflag:$0x3] =	sbarrier.arrive $0xFFFF;
	s2 =	simm.s32 @!p0 $0x1C02  }
0x3a: {  	[timem:s3], [sflag:s2] =	dma.local @!p0 [hbm:s0], s1  }
0x3b: {  	s0 =	simm.s32 @!p0 $0x2  }
0x3c: {  	_ =	swait.ge @!p0 [sflag:s0], s1  }
0x3d: {  	s1 =	ssub.s32 @!p0 $0x0, s1;
	[sflag:s0] =	ssyncset.done @!p0 $0x0  }
0x3e: {  	[sflag:s0] =	ssyncadd.s32 @!p0 s1  }
0x3f: {  	[bflag:$0x3] =	sbarrier.arrive $0xFFFF  }
0x40: {  	_ =	shalt  }

// kernel: kernel.8.cloned.1.call-start
scs
__scs_entry_jumppad:
0x0: {  	(pc) =	sbr.rel $0x88, $3  }
0x1: {  	(tag) =	ssettag $0x0;
	lr =	simm.s32 $0x1  }
0x2: {  	[smem:$0x3F8D] =	sst lr;
	_ =	strace $0xD0000000  }
0x3: {  	_ = 	snop  }
0x4: {  	_ = 	snop  }
0x5: {  	_ = 	snop  }
0x6: {  	_ = 	snop  }
0x7: {  	_ = 	snop  }
__scs_overlays_trampoline_lowered:
0x8: {  	[smem:$0x3F9C] =	sst s0  }
0x9: {  	[smem:$0x3F9D] =	sst s1  }
0xa: {  	[smem:$0x3F9E] =	sst s2  }
0xb: {  	[smem:$0x3F9F] =	sst s3  }
0xc: {  	[smem:$0x3FA0] =	sst s4  }
0xd: {  	[smem:$0x3FA1] =	sst s5  }
0xe: {  	[smem:$0x3FA2] =	sst s6  }
0xf: {  	[smem:$0x3FA3] =	sst s7  }
0x10: {  	[smem:$0x3FA4] =	sst s8  }
0x11: {  	[smem:$0x3FA5] =	sst s9;
	s0 =	simm.s32 @!p0 $0x0  }
0x12: {  	s1 =	sld [smem:$0x3F8B];
	s0 =	simm.s32 @p0 $0x1  }
0x13: {  	[smem:$0x3FA6] =	sst s0;
	s0 =	simm.s32 @!p1 $0x0  }
0x14: {  	s2 =	sld [smem:$0x3F8A];
	s0 =	simm.s32 @p1 $0x1  }
0x15: {  	[smem:$0x3FA7] =	sst s0;
	s0 =	simm.s32 @!p2 $0x0  }
0x16: {  	s3 =	sld [smem:$0x3FDB];
	s0 =	simm.s32 @p2 $0x1  }
0x17: {  	s4 =	simm.s32 $0x1BF5;
	[smem:$0x3FA9] =	sst s0  }
0x18: {  	s0 =	sld [smem:$0x3F8C];
	_ =	swait.ge [sflag:s4], $0x0  }
0x19: {  	s7 =	sld [smem:$0x3F8D]  }
0x1a: {  	s8 =	sadd.s32 $0xFFFFE003, lr  }
0x1b: {  	s9 =	sadd.s32 $0xFFFFFEF7, lr;
	s5 =	simm.s32 $0xFFFFFFFF;
	p2 =	slt.u32 s8, $0xFFFFF086  }
0x1c: {  	p1 =	slt.u32 s9, $0xF7A;
	s5 =	simm.s32 @!p2 $0x0  }
0x1d: {  	s5 =	simm.s32 @p1 $0x1;
	p0 =	seq.s32 s7, s2  }
0x1e: {  	s7 =	smul.u32 @!p0 $0xF7A, s2;
	p2 =	seq.s32 @!p0 s5, $0x0  }
0x1f: {  	s9 =	smul.u32 $0xF7A, s1;
	s8 =	simm.s32 @!p0 $0x1BF5;
	p2 =	por !p2, p0  }
0x20: {  	[sflag:s8] =	ssyncset.s32 @!p0 $0xFFFFF086;
	s6 =	sadd.s32 @!p0 s3, s7;
	s7 =	simm.s32 @!p0 $0x108  }
0x21: {  	s3 =	sadd.s32 s3, s9;
	s6 =	sadd.s32 @!p0 $0x88, s6;
	s7 =	simm.s32 @p2 $0x1082  }
0x22: {  	[simem:s7], [sflag:s8] =	dma.local @!p0 [hbm:s6], $0xF7A  }
0x23: {  	s9 =	sor.u32 $0xD0000000, s2;
	s6 =	simm.s32 $0x108;
	_ =	swait.ge @!p0 [sflag:s8], $0x0  }
0x24: {  	s3 =	sadd.s32 $0x88, s3;
	s6 =	simm.s32 @!p1 $0x1082;
	[sflag:s4] =	ssyncset.s32 $0xFFFFF086  }
0x25: {  	[simem:s6], [sflag:s4] =	dma.local [hbm:s3], $0xF7A  }
0x26: {  	[smem:$0x3F8D] =	sst s1;
	(tag) =	ssettag s2;
	_ =	strace s9  }
0x27: {  	s1 =	sld [smem:$0x3F9D]  }
0x28: {  	s2 =	sld [smem:$0x3F9E]  }
0x29: {  	s4 =	sld [smem:$0x3FA0]  }
0x2a: {  	p0 =	seq.s32 s5, $0x0;
	s5 =	sld [smem:$0x3FA1]  }
0x2b: {  	s6 =	sld [smem:$0x3FA2]  }
0x2c: {  	s7 =	sld [smem:$0x3FA3]  }
0x2d: {  	s3 =	simm.s32 $0x108;
	s8 =	sld [smem:$0x3FA4]  }
0x2e: {  	s3 =	simm.s32 @!p0 $0x1082;
	s9 =	sld [smem:$0x3FA5]  }
0x2f: {  	lr =	sadd.s32 s0, s3;
	s0 =	sld [smem:$0x3F9C]  }
0x30: {  	s3 =	sld [smem:$0x3F9F]  }
0x31: {  	[smem:$0x3FA8] =	sst s10  }
0x32: {  	s10 =	sld [smem:$0x3FA6];
	_ =	sdelay $0x3  }
0x33: {  	p0 =	seq.s32 s10, $0x1;
	s10 =	sld [smem:$0x3FA8];
	_ =	sdelay $0x3  }
0x34: {  	[smem:$0x3FA8] =	sst s10  }
0x35: {  	s10 =	sld [smem:$0x3FA7];
	_ =	sdelay $0x3  }
0x36: {  	p1 =	seq.s32 s10, $0x1;
	s10 =	sld [smem:$0x3FA8];
	_ =	sdelay $0x3  }
0x37: {  	[smem:$0x3FA8] =	sst s10  }
0x38: {  	s10 =	sld [smem:$0x3FA9]  }
0x39: {  	_ = 	snop;
	(pc) =	sbr.ind lr, $3  }
0x3a: {  	_ = 	snop  }
0x3b: {  	_ = 	snop  }
0x3c: {  	p2 =	seq.s32 s10, $0x1;
	s10 =	sld [smem:$0x3FA8]  }
0x3d: {  	_ =	shalt  }
0x3e: {  	_ =	shalt  }
0x3f: {  	_ =	shalt  }
0x40: {  	_ =	shalt  }
0x41: {  	_ =	shalt  }
0x42: {  	_ =	shalt  }
0x43: {  	_ =	shalt  }
0x44: {  	_ =	shalt  }
0x45: {  	_ =	shalt  }
0x46: {  	_ =	shalt  }
0x47: {  	_ =	shalt  }
0x48: {  	_ =	shalt  }
0x49: {  	_ =	shalt  }
0x4a: {  	_ =	shalt  }
0x4b: {  	_ =	shalt  }
0x4c: {  	_ =	shalt  }
0x4d: {  	_ =	shalt  }
0x4e: {  	_ =	shalt  }
0x4f: {  	_ =	shalt  }
0x50: {  	_ =	shalt  }
0x51: {  	_ =	shalt  }
0x52: {  	_ =	shalt  }
0x53: {  	_ =	shalt  }
0x54: {  	_ =	shalt  }
0x55: {  	_ =	shalt  }
0x56: {  	_ =	shalt  }
0x57: {  	_ =	shalt  }
0x58: {  	_ =	shalt  }
0x59: {  	_ =	shalt  }
0x5a: {  	_ =	shalt  }
0x5b: {  	_ =	shalt  }
0x5c: {  	_ =	shalt  }
0x5d: {  	_ =	shalt  }
0x5e: {  	_ =	shalt  }
0x5f: {  	_ =	shalt  }
0x60: {  	_ =	shalt  }
0x61: {  	_ =	shalt  }
0x62: {  	_ =	shalt  }
0x63: {  	_ =	shalt  }
0x64: {  	_ =	shalt  }
0x65: {  	_ =	shalt  }
0x66: {  	_ =	shalt  }
0x67: {  	_ =	shalt  }
0x68: {  	_ =	shalt  }
0x69: {  	_ =	shalt  }
0x6a: {  	_ =	shalt  }
0x6b: {  	_ =	shalt  }
0x6c: {  	_ =	shalt  }
0x6d: {  	_ =	shalt  }
0x6e: {  	_ =	shalt  }
0x6f: {  	_ =	shalt  }
0x70: {  	_ =	shalt  }
0x71: {  	_ =	shalt  }
0x72: {  	_ =	shalt  }
0x73: {  	_ =	shalt  }
0x74: {  	_ =	shalt  }
0x75: {  	_ =	shalt  }
0x76: {  	_ =	shalt  }
0x77: {  	_ =	shalt  }
0x78: {  	_ =	shalt  }
0x79: {  	_ =	shalt  }
0x7a: {  	_ =	shalt  }
0x7b: {  	_ =	shalt  }
0x7c: {  	_ =	shalt  }
0x7d: {  	_ =	shalt  }
0x7e: {  	_ =	shalt  }
0x7f: {  	_ =	shalt  }
0x80: {  	_ =	shalt  }
0x81: {  	_ =	shalt  }
0x82: {  	_ =	shalt  }
0x83: {  	_ =	shalt  }
0x84: {  	_ =	shalt  }
0x85: {  	_ =	shalt  }
0x86: {  	_ =	shalt  }
0x87: {  	_ =	shalt  }
.Lfunc_end0:
.L_simem_size_0:
called_computation.1_lowered:
.L_overlay_start_0:
0x88: {  	s2 =	sld [smem:$0x3FD9]  }
0x89: {  	s3 =	sld [smem:$0x3FFE];
	_ =	sdelay $0x1  }
0x8a: {  	s1 =	srdreg.scid  }
0x8b: {  	s0 =	sand.u32 $0x1, s1  }
0x8c: {  	s16 =	sshll.u32 s0, $0xA;
	s2 =	sadd.s32 s3, s2  }
0x8d: {  	s2 =	sadd.s32 s2, s16  }
0x8e: {  	[smem:$0x3FB4] =	sst s2  }
0x8f: {  	_ = 	snop  }
0x90: {  	(tm) =	ssettm $0x1  }
0x91: {  	s17 =	sld [smem:$0x3FFB];
	_ =	sdelay $0x3  }
0x92: {  	_ =	strace s17  }
0x93: {  	s2 =	sld [smem:$0x3FFC];
	_ =	sdelay $0x3  }
0x94: {  	_ =	strace s2  }
0x95: {  	s2 =	sld [smem:$0x3FFD];
	_ =	sdelay $0x3  }
0x96: {  	_ =	strace s2  }
0x97: {  	_ =	strace $0x8FFFFFFF  }
0x98: {  	s18 =	sld [smem:$0x3FDB];
	_ =	sdelay $0x1  }
0x99: {  	s19 =	simm.s32 $_scs_section_size  }
0x9a: {  	s4 =	simm.s32 $_size__tile_overlayer_lowered;
	s5 =	simm.s32 $_tile_overlayer_lowered  }
0x9b: {  	s22 =	simm.s32 $0x1BFF;
	s21 =	sshll.u32 s5, $0x1;
	s2 =	sadd.s32 s19, s18  }
0x9c: {  	s6 =	simm.s32 $0x0;
	s20 =	sshll.u32 s4, $0x1;
	s4 =	sadd.s32 s21, s2  }
0x9d: {  	[timem:s6], [sflag:s22] =	dma.local [hbm:s4], s20  }
0x9e: {  	_ =	swait.ge [sflag:s22], s20  }
0x9f: {  	s3 =	ssub.s32 $0x0, s20;
	[sflag:s22] =	ssyncset.done $0x0  }
0xa0: {  	[sflag:s22] =	ssyncadd.s32 s3;
	_ =	sdelay $0x1  }
0xa1: {  	s23 =	simm.s32 $0x1B8B  }
0xa2: {  	_ =	swait.ge [sflag:s23], $0x1  }
0xa3: {  	[sflag:s23] =	ssyncset.done $0x0  }
0xa4: {  	s25 =	simm.s32 $0x1B8E;
	s24 =	sld [smem:$0x3FFE];
	[sflag:s23] =	ssyncadd.s32 $0xFFFFFFFF  }
0xa5: {  	s26 =	simm.s32 $execute0_lowered;
	[smem:$0x3FD2] =	sst s25  }
0xa6: {  	s4 =	sshll.u32 s26, $0x1;
	_ =	strace $0x80000046;
	[dreg:$0x1] =	wrdreg $0xFFFFFFFF  }
0xa7: {  	s28 =	simm.s32 $_size_execute0_lowered;
	s2 =	sadd.s32 s2, s4;
	[dreg:$0x0] =	wrdreg $0x0  }
0xa8: {  	s4 =	sshll.u32 s28, $0x1;
	[dreg:$0x2] =	wrdreg s2  }
0xa9: {  	[dreg:$0x3] =	wrdreg s4  }
0xaa: {  	[dreg:$0x4] =	wrdreg $0xC0  }
0xab: {  	_ =	task [dreg:s6], $0x5FFFF  }
0xac: {  	[dreg:$0x1] =	wrdreg $0xFFFFFFFF  }
0xad: {  	[dreg:$0x0] =	wrdreg $0x60  }
0xae: {  	[dreg:$0x2] =	wrdreg s24  }
0xaf: {  	[dreg:$0x3] =	wrdreg $0xA  }
0xb0: {  	_ =	task.clear_ibuf [dreg:s6], $0x4FFFF;
	_ =	strace $0x90000046  }
0xb1: {  	s29 =	simm.s32 $0xA;
	_ =	strace $0x80000048  }
0xb2: {  	_ =	swait.ge [sflag:s29], $0x1  }
0xb3: {  	[sflag:s29] =	ssyncadd.s32 $0xFFFFFFFF  }
0xb4: {  	_ =	strace $0x90000048  }
0xb5: {  	_ =	sfence  }
0xb6: {  	s30 =	sld [smem:$0x0];
	_ =	sdelay $0x2  }
0xb7: {  	s31 =	sshll.u32 s1, $0xD;
	s1 =	sshrl.u32 s1, $0x2  }
0xb8: {  	s3 =	sand.u32 $0x4000, s31;
	s1 =	sadd.s32 s1, s30  }
0xb9: {  	s0 =	sor.u32 s3, s0;
	s1 =	sshll.u32 s1, $0x11  }
0xba: {  	s0 =	sor.u32 s1, s0  }
0xbb: {  	s0 =	sadd.s32 $0x8F2B, s0  }
0xbc: {  	[sflag:s0] =	ssyncadd.remote.s32 $0x1  }
0xbd: {  	_ =	sfence.sel $0xFFFF  }
0xbe: {  	[dreg:$0x0] =	wrdreg $0xFFFFFFFF;
	(pc) =	sbr.abs _section_cstart, $3  }
0xbf: {  	[dreg:$0x1] =	wrdreg $0xFFFFFFFF  }
0xc0: {  	_ =	task.clear_ibuf [dreg:s6], $0x2FFFF;
	_ =	strace $0x9FFFFFFF  }
0xc1: {  	(tm) =	ssettm $0x7FFFFFFF  }
tec
execute0_lowered:
.L_overlay_start_1:
0x0: {  	(tag) =	ssettag $0x1  }
0x1: {  	s4 =	rddreg [dreg:$0x0]  }
0x2: {  	s0 =	rddreg [dreg:$0x1];
	s2 =	simm.s32 $0x0;
	s1 =	stileid.u32  }
0x3: {  	s3 =	srdreg.scid;
	s10 =	simm.s32 $0x0;
	s6 =	smul.u32 $0x1400, s1  }
0x4: {  	[smem:$0x7FF] =	sst s2;
	s5 =	sand.u32 $0x1, s3;
	s8 =	smul.u32 $0x14000, s1  }
0x5: {  	s3 =	sadd.s32 $0x4E00, s4;
	s7 =	smul.u32 $0xA00, s5;
	s9 =	ssub.s32 $0x2, s5  }
0x6: {  	_ =	strace $0x80000047;
	s5 =	smul.u32 $0xA000, s5;
	s31 =	sshrl.u32 s9, $0x1  }
0x7: {  	s8 =	sadd.s32 s8, s4;
	s6 =	sadd.s32 s7, s6;
	s7 =	ssub.s32 s9, s31  }
0x8: {  	s5 =	sadd.s32 s5, s8;
	s8 =	simm.s32 $0x100;
	s6 =	sshrl.u32 s6, $0x3  }
0x9: {  	s9 =	simm.s32 $0x1;
	s5 =	sadd.s32 $0x5200, s5;
	s6 =	sadd.s32 s6, s4  }
0xa: {  	s4 =	smax.u32 s7, $0x1;
	s7 =	simm.s32 $0x2;
	s6 =	sadd.s32 $0x2600, s6  }
.LBB2_1:
0xb: {  	s11 =	sadd.s32 $0x0, s6  }
0xc: {  	[tilespmem:s2], [sflag:$0x2] =	stream.linear.gather [hbm4b:s11+s2], $0x100, $0x38;
	[tilespmem:$0x8100] =	vst v63  }
0xd: {  	_ =	swait.ge [sflag:s7], $0x100  }
0xe: {  	[sflag:s7] =	ssyncset.done $0x0  }
0xf: {  	[sflag:s7] =	ssyncadd.s32 $0xFFFFFF00  }
0x10: {  	[tilespmem:s8], [sflag:$0x1] =	stream.indirect.gather [hbm4b:s3+s8], $0x80, s2, s8, $0xb8;
	[tilespmem:$0x8100] =	vst v63  }
0x11: {  	_ =	swait.ge [sflag:s9], $0x8000  }
0x12: {  	[sflag:s9] =	ssyncset.done $0x0  }
0x13: {  	[sflag:s9] =	ssyncadd.s32 $0xFFFF8000  }
0x14: {  	[hbm4b:s5+s2] =	stream.linear.scatter [tilespmem:s8], [sflag:$0x2], $0x8000, $0x38;
	[tilespmem:$0x8100] =	vst v63  }
0x15: {  	s12 =	simm.s32 $0x20;
	_ =	swait.ge [sflag:s7], $0x8000  }
0x16: {  	s13 =	simm.s32 $0x40;
	s11 =	sadd.s32 $0x1000, s5;
	[sflag:s7] =	ssyncset.done $0x0  }
.LBB2_2:
0x17: {  	s14 =	sadd.s32 s12, s6  }
0x18: {  	[sflag:s7] =	ssyncadd.s32 $0xFFFF8000;
	s12 =	smov.u32 s13;
	s15 =	sadd.s32 $0x20, s13  }
0x19: {  	[tilespmem:s2], [sflag:$0x2] =	stream.linear.gather [hbm4b:s14+s2], $0x100, $0x38;
	[tilespmem:$0x8100] =	vst v63  }
0x1a: {  	p0 =	sne.s32 s13, $0x120;
	_ =	swait.ge [sflag:s7], $0x100  }
0x1b: {  	[sflag:s7] =	ssyncset.done $0x0  }
0x1c: {  	[sflag:s7] =	ssyncadd.s32 $0xFFFFFF00  }
0x1d: {  	[tilespmem:s8], [sflag:$0x1] =	stream.indirect.gather [hbm4b:s3+s8], $0x80, s2, s8, $0xb8;
	[tilespmem:$0x8100] =	vst v63  }
0x1e: {  	_ =	swait.ge [sflag:s9], $0x8000  }
.Ltmp0:
0x1f: {  	[sflag:s9] =	ssyncset.done $0x0;
	(pc) =	sbr.rel @p0 .LBB2_2-.Ltmp0, $4  }
0x20: {  	[sflag:s9] =	ssyncadd.s32 $0xFFFF8000  }
0x21: {  	[hbm4b:s11+s2] =	stream.linear.scatter [tilespmem:s8], [sflag:$0x2], $0x8000, $0x38;
	[tilespmem:$0x8100] =	vst v63  }
0x22: {  	_ =	swait.ge [sflag:s7], $0x8000  }
0x23: {  	s13 =	smov.u32 s15;
	s11 =	sadd.s32 $0x1000, s11;
	[sflag:s7] =	ssyncset.done $0x0  }
0x24: {  	s12 =	sadd.s32 s12, s6;
	[sflag:s7] =	ssyncadd.s32 $0xFFFF8000  }
0x25: {  	[tilespmem:s2], [sflag:$0x2] =	stream.linear.gather [hbm4b:s12+s2], $0x100, $0x38;
	[tilespmem:$0x8100] =	vst v63  }
0x26: {  	_ =	swait.ge [sflag:s7], $0x100  }
0x27: {  	[sflag:s7] =	ssyncset.done $0x0  }
0x28: {  	[sflag:s7] =	ssyncadd.s32 $0xFFFFFF00  }
0x29: {  	[tilespmem:s8], [sflag:$0x1] =	stream.indirect.gather [hbm4b:s3+s8], $0x80, s2, s8, $0xb8;
	[tilespmem:$0x8100] =	vst v63  }
0x2a: {  	s10 =	sadd.s32 $0x1, s10;
	_ =	swait.ge [sflag:s9], $0x8000  }
0x2b: {  	p0 =	sne.s32 s10, s4;
	[sflag:s9] =	ssyncset.done $0x0  }
.Ltmp1:
0x2c: {  	[sflag:s9] =	ssyncadd.s32 $0xFFFF8000;
	(pc) =	sbr.rel @p0 .LBB2_1-.Ltmp1, $4  }
0x2d: {  	[hbm4b:s11+s2] =	stream.linear.scatter [tilespmem:s8], [sflag:$0x2], $0x8000, $0x38;
	[tilespmem:$0x8100] =	vst v63  }
0x2e: {  	_ =	swait.ge [sflag:s7], $0x8000  }
0x2f: {  	[sflag:s7] =	ssyncset.done $0x0  }
0x30: {  	[sflag:s7] =	ssyncadd.s32 $0xFFFF8000  }
0x31: {  	_ =	sfence.sel $0x180000  }
0x32: {  	[bflag:$0x0] =	sbarrier.arrive $0xFFFF  }
0x33: {  	p0 =	sne.s32 s1, $0x0;
	_ =	strace $0x90000047  }
0x34: {  	s0 =	sadd.s32 @!p0 $0x100000, s0;
	[bflag:$0x2] =	sbarrier.arrive $0xFFFF  }
0x35: {  	[sflag:s0] =	ssyncadd.tile.s32 @!p0 $0x1;
	_ =	shalt  }
.Lfunc_end2:
_tile_overlayer_lowered:
.L_overlay_start_2:
0x36: {  	(tag) =	ssettag $0x2  }
0x37: {  	s0 =	rddreg [dreg:$0x0];
	s2 =	stileid.u32  }
0x38: {  	s1 =	rddreg [dreg:$0x1];
	p0 =	sne.s32 s2, $0x0  }
0x39: {  	s3 =	rddreg [dreg:$0x2];
	[bflag:$0x3] =	sbarrier.arrive $0xFFFF;
	s2 =	simm.s32 @!p0 $0x1C02  }
0x3a: {  	[timem:s3], [sflag:s2] =	dma.local @!p0 [hbm:s0], s1  }
0x3b: {  	s0 =	simm.s32 @!p0 $0x2  }
0x3c: {  	_ =	swait.ge @!p0 [sflag:s0], s1  }
0x3d: {  	s1 =	ssub.s32 @!p0 $0x0, s1;
	[sflag:s0] =	ssyncset.done @!p0 $0x0  }
0x3e: {  	[sflag:s0] =	ssyncadd.s32 @!p0 s1  }
0x3f: {  	[bflag:$0x3] =	sbarrier.arrive $0xFFFF  }
0x40: {  	_ =	shalt  }

</sc_bundles>
